<compile_context>
chip_gen: v7x
topology: tpu7x:2x2x1
jax: 0.10.2.dev20260603
libtpu: 0.0.44.dev20260713+nightly
codegen_flags: <defaults>
</compile_context>

<pallas_src>
import jax
import jax.numpy as jnp
from jax import lax
from jax.experimental import pallas as pl
from jax.experimental.pallas import tpu as pltpu
from jax.experimental.pallas import tpu_sc as plsc

BATCH = 16384
EMBED_DIM = 32
NUM_USERS = 1000000
NUM_ITEMS = 100000
NUM_WORKERS = 32
RPW = BATCH // NUM_WORKERS
CHUNK = 128
NCHUNK = RPW // CHUNK

U_QTR = 128 * 31
U_BLOCK = 4 * U_QTR
U_GRID = -(-NUM_USERS // U_BLOCK)
I_QTR = 128 * 7
I_BLOCK = 4 * I_QTR
I_GRID = -(-NUM_ITEMS // I_BLOCK)

_MLP_BLOCK = 2048


def _repack_body(src_ref, out_ref):
    qtr = src_ref.shape[1] // 4
    pieces = [src_ref[:, pl.ds(k * qtr, qtr)].T for k in range(4)]
    out_ref[...] = jnp.concatenate(pieces, axis=1)


def _repack(tbl_t, qtr, grid):
    return pl.pallas_call(
        _repack_body,
        grid=(grid,),
        in_specs=[pl.BlockSpec((EMBED_DIM, 4 * qtr), lambda c: (0, c))],
        out_specs=pl.BlockSpec((qtr, 4 * EMBED_DIM), lambda c: (c, 0)),
        out_shape=jax.ShapeDtypeStruct((grid * qtr, 4 * EMBED_DIM), jnp.float32),
    )(tbl_t)


def _packed_row(idx, block, qtr):
    j = idx % block
    return (idx // block) * qtr + j % qtr, j // qtr


def _sc_gather_body(user_tbl, item_tbl, u_idx, i_idx,
                    u_out, i_out,
                    uidx_v, iidx_v, rows_v, sem):
    wid = lax.axis_index("s") * 2 + lax.axis_index("c")
    base = wid * RPW

    pltpu.sync_copy(u_idx.at[wid], uidx_v)
    pltpu.sync_copy(i_idx.at[wid], iidx_v)

    for tbl, idx_v, out in ((user_tbl, uidx_v, u_out),
                            (item_tbl, iidx_v, i_out)):
        copies = []
        for j in range(NCHUNK):
            copies.append(pltpu.async_copy(
                tbl.at[idx_v.at[j]],
                rows_v.at[pl.ds(j * CHUNK, CHUNK)], sem))
        for c in copies:
            c.wait()
        pltpu.sync_copy(rows_v, out.at[pl.ds(base, RPW)])


def _sc_gather(user_tbl, item_tbl, u_idx, i_idx):
    mesh = plsc.VectorSubcoreMesh(core_axis_name="c", subcore_axis_name="s")
    fn = pl.kernel(
        _sc_gather_body,
        out_type=[
            jax.ShapeDtypeStruct((BATCH, 4 * EMBED_DIM), jnp.float32),
            jax.ShapeDtypeStruct((BATCH, 4 * EMBED_DIM), jnp.float32),
        ],
        mesh=mesh,
        scratch_types=[
            pltpu.VMEM((NCHUNK, CHUNK), jnp.int32),
            pltpu.VMEM((NCHUNK, CHUNK), jnp.int32),
            pltpu.VMEM((RPW, 4 * EMBED_DIM), jnp.float32),
            pltpu.SemaphoreType.DMA,
        ],
    )
    return fn(user_tbl, item_tbl, u_idx, i_idx)


def _select_quarter(x128, q):
    out = jnp.zeros((x128.shape[0], EMBED_DIM), jnp.float32)
    qc = q[:, None]
    for k in range(4):
        out = jnp.where(qc == k, x128[:, k * EMBED_DIM:(k + 1) * EMBED_DIM], out)
    return out


def _mlp_body(u_ref, v_ref, qu_ref, qi_ref, w1u_ref, w1i_ref, b1_ref,
              w2_ref, b2_ref, w3t_ref, b3_ref, out_ref):
    u = _select_quarter(u_ref[...], qu_ref[...])
    v = _select_quarter(v_ref[...], qi_ref[...])
    x1 = (jnp.dot(u, w1u_ref[...], preferred_element_type=jnp.float32)
          + jnp.dot(v, w1i_ref[...], preferred_element_type=jnp.float32)
          + b1_ref[...])
    h1 = jnp.maximum(x1, 0.0)
    h2 = jnp.maximum(
        jnp.dot(h1, w2_ref[...], preferred_element_type=jnp.float32)
        + b2_ref[...], 0.0)
    out_ref[...] = jnp.sum(h2 * w3t_ref[...], axis=1) + b3_ref[0]


def _mlp(u, v, qu, qi, W1u, W1i, b1, W2, b2, W3t, b3):
    grid = (BATCH // _MLP_BLOCK,)
    full = lambda i: (0, 0)
    return pl.pallas_call(
        _mlp_body,
        grid=grid,
        in_specs=[
            pl.BlockSpec((_MLP_BLOCK, 4 * EMBED_DIM), lambda i: (i, 0)),
            pl.BlockSpec((_MLP_BLOCK, 4 * EMBED_DIM), lambda i: (i, 0)),
            pl.BlockSpec((_MLP_BLOCK,), lambda i: (i,)),
            pl.BlockSpec((_MLP_BLOCK,), lambda i: (i,)),
            pl.BlockSpec((EMBED_DIM, 64), full),
            pl.BlockSpec((EMBED_DIM, 64), full),
            pl.BlockSpec((1, 64), full),
            pl.BlockSpec((64, 32), full),
            pl.BlockSpec((1, 32), full),
            pl.BlockSpec((1, 32), full),
            pl.BlockSpec((1,), lambda i: (0,)),
        ],
        out_specs=pl.BlockSpec((_MLP_BLOCK,), lambda i: (i,)),
        out_shape=jax.ShapeDtypeStruct((BATCH,), jnp.float32),
    )(u, v, qu, qi, W1u, W1i, b1, W2, b2, W3t, b3)


@jax.jit
def _run(user_indices, item_indices, user_table, item_table,
         W1, b1, W2, b2, W3, b3):
    ui = user_indices.astype(jnp.int32)
    ii = item_indices.astype(jnp.int32)
    ur, uq = _packed_row(ui, U_BLOCK, U_QTR)
    ir, iq = _packed_row(ii, I_BLOCK, I_QTR)
    u_pack = _repack(user_table.T, U_QTR, U_GRID)
    i_pack = _repack(item_table.T, I_QTR, I_GRID)
    u128, v128 = _sc_gather(u_pack, i_pack,
                            ur.reshape(NUM_WORKERS, NCHUNK, CHUNK),
                            ir.reshape(NUM_WORKERS, NCHUNK, CHUNK))
    W1u = W1[:EMBED_DIM, :]
    W1i = W1[EMBED_DIM:, :]
    pred = _mlp(u128, v128, uq, iq, W1u, W1i, b1.reshape(1, 64), W2,
                b2.reshape(1, 32), W3.reshape(1, 32), b3)
    return pred.reshape(BATCH, 1)


def kernel(user_indices, item_indices, user_table, item_table,
           W1, b1, W2, b2, W3, b3):
    return _run(user_indices, item_indices, user_table, item_table,
                W1, b1, W2, b2, W3, b3)

# --- scband reference (transcript-rebuilt; emitter-appended) ---
"""Pipeline reference for scband-game-recommender-net-31954556682334 (READ-ONLY COPY).

The authoritative reference and input builder live on the scoring server;
editing this copy changes nothing except your own understanding.
"""

import jax, jax.numpy as jnp
import numpy as np

NUM_USERS = 1000000
NUM_ITEMS = 100000
EMBED_DIM = 32
BATCH = 16384


def setup_inputs(seed: int = 0) -> dict:
    key = jax.random.key(seed)
    ks = jax.random.split(key, 10)
    user_indices = jax.random.randint(ks[0], (BATCH,), 0, NUM_USERS, dtype=jnp.int64 if jax.config.jax_enable_x64 else jnp.int32)
    item_indices = jax.random.randint(ks[1], (BATCH,), 0, NUM_ITEMS, dtype=jnp.int64 if jax.config.jax_enable_x64 else jnp.int32)
    user_table = jax.random.normal(ks[2], (NUM_USERS, EMBED_DIM), dtype=jnp.float32) * 0.05
    item_table = jax.random.normal(ks[3], (NUM_ITEMS, EMBED_DIM), dtype=jnp.float32) * 0.05
    W1 = jax.random.normal(ks[4], (EMBED_DIM * 2, 64), dtype=jnp.float32) * (1.0 / np.sqrt(EMBED_DIM * 2))
    b1 = jnp.zeros((64,), dtype=jnp.float32)
    W2 = jax.random.normal(ks[5], (64, 32), dtype=jnp.float32) * (1.0 / np.sqrt(64))
    b2 = jnp.zeros((32,), dtype=jnp.float32)
    W3 = jax.random.normal(ks[6], (32, 1), dtype=jnp.float32) * (1.0 / np.sqrt(32))
    b3 = jnp.zeros((1,), dtype=jnp.float32)
    return {"user_indices": user_indices, "item_indices": item_indices,
            "user_table": user_table, "item_table": item_table,
            "W1": W1, "b1": b1, "W2": W2, "b2": b2, "W3": W3, "b3": b3}


def reference(user_indices, item_indices, user_table, item_table, W1, b1, W2, b2, W3, b3):
    # embedding lookups (gather)
    user_vec = jnp.take(user_table, user_indices, axis=0)
    item_vec = jnp.take(item_table, item_indices, axis=0)
    x = jnp.concatenate([user_vec, item_vec], axis=-1)
    # fc_layers: Linear -> ReLU -> Dropout(eval: identity) -> Linear -> ReLU -> Linear
    h = jnp.maximum(x @ W1 + b1, 0.0)
    h = jnp.maximum(h @ W2 + b2, 0.0)
    prediction = h @ W3 + b3
    return prediction

if __name__ == "__main__":
    import jax
    _d = setup_inputs()
    print(jax.jit(kernel)(*tuple(_d.values())))

</pallas_src>

<mosaic_0001>
#map = affine_map<(d0, d1) -> (0, 0)>
#map1 = affine_map<(d0, d1) -> (0, 0, 0)>
module attributes {stable_mosaic.version = 14 : i64} {
  func.func @_sc_gather_body(%arg0: i32, %arg1: i32, %arg2: memref<253952x128xf32, #tpu.memory_space<hbm>>, %arg3: memref<25088x128xf32, #tpu.memory_space<hbm>>, %arg4: memref<32x4x128xi32, #tpu.memory_space<hbm>>, %arg5: memref<32x4x128xi32, #tpu.memory_space<hbm>>, %arg6: memref<16384x128xf32, #tpu.memory_space<hbm>>, %arg7: memref<16384x128xf32, #tpu.memory_space<hbm>>, %arg8: memref<4x128xi32, #tpu.memory_space<vmem>>, %arg9: memref<4x128xi32, #tpu.memory_space<vmem>>, %arg10: memref<512x128xf32, #tpu.memory_space<vmem>>, %arg11: memref<!tpu.dma_semaphore, #tpu.memory_space<semaphore_mem>>) attributes {dimension_semantics = [#tpu.dimension_semantics<core_parallel>, #tpu.dimension_semantics<subcore_parallel>], iteration_bounds = array<i64: 2, 16>, scalar_prefetch = 0 : i64, scratch_operands = 4 : i64, tpu.core_type = #tpu.core_type<sc_vector_subcore>, window_params = [{transform_indices = #map}, {transform_indices = #map}, {transform_indices = #map1}, {transform_indices = #map1}, {transform_indices = #map}, {transform_indices = #map}]} {
    %mul3A = arith.constant 2 : i32
    %mul3A_0 = arith.muli %arg1, %mul3A : i32
    %add3A = arith.addi %mul3A_0, %arg0 : i32
    %mul3A_1 = arith.constant 512 : i32
    %mul3A_2 = arith.muli %add3A, %mul3A_1 : i32
    "tpu.region"() ({
      %run_scoped3A = tpu.sem_alloc : memref<!tpu.dma_semaphore, #tpu.memory_space<semaphore_mem>>
      %dma_start3A_161 = arith.constant 0 : i32
      %dma_start3A_162 = arith.constant 0 : i32
      %dma_start3A_163 = tpu.memref_slice %arg4[%add3A, %dma_start3A_161, %dma_start3A_162] : memref<32x4x128xi32, #tpu.memory_space<hbm>> -> memref<1x4x128xi32, #tpu.memory_space<hbm>>
      %dma_start3A_164 = tpu.memref_squeeze %dma_start3A_163 : memref<1x4x128xi32, #tpu.memory_space<hbm>> -> memref<4x128xi32, #tpu.memory_space<hbm>>
      %dma_start3A_165 = arith.constant 0 : i32
      %dma_start3A_166 = arith.constant 0 : i32
      %dma_start3A_167 = tpu.memref_slice %arg4[%add3A, %dma_start3A_165, %dma_start3A_166] : memref<32x4x128xi32, #tpu.memory_space<hbm>> -> memref<1x4x128xi32, #tpu.memory_space<hbm>>
      %dma_start3A_168 = tpu.memref_squeeze %dma_start3A_167 : memref<1x4x128xi32, #tpu.memory_space<hbm>> -> memref<4x128xi32, #tpu.memory_space<hbm>>
      tpu.enqueue_dma source(%dma_start3A_168 : memref<4x128xi32, #tpu.memory_space<hbm>>) target(%arg8 : memref<4x128xi32, #tpu.memory_space<vmem>>) target_semaphore(%run_scoped3A : memref<!tpu.dma_semaphore, #tpu.memory_space<semaphore_mem>>)
      %dma_wait3A_169 = arith.constant 0 : i32
      %dma_wait3A_170 = arith.constant 0 : i32
      %dma_wait3A_171 = tpu.memref_slice %arg4[%add3A, %dma_wait3A_169, %dma_wait3A_170] : memref<32x4x128xi32, #tpu.memory_space<hbm>> -> memref<1x4x128xi32, #tpu.memory_space<hbm>>
      %dma_wait3A_172 = tpu.memref_squeeze %dma_wait3A_171 : memref<1x4x128xi32, #tpu.memory_space<hbm>> -> memref<4x128xi32, #tpu.memory_space<hbm>>
      %dma_wait3A_173 = arith.constant 0 : i32
      %dma_wait3A_174 = arith.constant 0 : i32
      %dma_wait3A_175 = tpu.memref_slice %arg4[%add3A, %dma_wait3A_173, %dma_wait3A_174] : memref<32x4x128xi32, #tpu.memory_space<hbm>> -> memref<1x4x128xi32, #tpu.memory_space<hbm>>
      %dma_wait3A_176 = tpu.memref_squeeze %dma_wait3A_175 : memref<1x4x128xi32, #tpu.memory_space<hbm>> -> memref<4x128xi32, #tpu.memory_space<hbm>>
      tpu.wait_dma2 semaphore(%run_scoped3A : memref<!tpu.dma_semaphore, #tpu.memory_space<semaphore_mem>>) src(%dma_wait3A_176 : memref<4x128xi32, #tpu.memory_space<hbm>>) dst(%arg8 : memref<4x128xi32, #tpu.memory_space<vmem>>)
      tpu.yield
    }) : () -> ()
    "tpu.region"() ({
      %run_scoped3A = tpu.sem_alloc : memref<!tpu.dma_semaphore, #tpu.memory_space<semaphore_mem>>
      %dma_start3A_161 = arith.constant 0 : i32
      %dma_start3A_162 = arith.constant 0 : i32
      %dma_start3A_163 = tpu.memref_slice %arg5[%add3A, %dma_start3A_161, %dma_start3A_162] : memref<32x4x128xi32, #tpu.memory_space<hbm>> -> memref<1x4x128xi32, #tpu.memory_space<hbm>>
      %dma_start3A_164 = tpu.memref_squeeze %dma_start3A_163 : memref<1x4x128xi32, #tpu.memory_space<hbm>> -> memref<4x128xi32, #tpu.memory_space<hbm>>
      %dma_start3A_165 = arith.constant 0 : i32
      %dma_start3A_166 = arith.constant 0 : i32
      %dma_start3A_167 = tpu.memref_slice %arg5[%add3A, %dma_start3A_165, %dma_start3A_166] : memref<32x4x128xi32, #tpu.memory_space<hbm>> -> memref<1x4x128xi32, #tpu.memory_space<hbm>>
      %dma_start3A_168 = tpu.memref_squeeze %dma_start3A_167 : memref<1x4x128xi32, #tpu.memory_space<hbm>> -> memref<4x128xi32, #tpu.memory_space<hbm>>
      tpu.enqueue_dma source(%dma_start3A_168 : memref<4x128xi32, #tpu.memory_space<hbm>>) target(%arg9 : memref<4x128xi32, #tpu.memory_space<vmem>>) target_semaphore(%run_scoped3A : memref<!tpu.dma_semaphore, #tpu.memory_space<semaphore_mem>>)
      %dma_wait3A_169 = arith.constant 0 : i32
      %dma_wait3A_170 = arith.constant 0 : i32
      %dma_wait3A_171 = tpu.memref_slice %arg5[%add3A, %dma_wait3A_169, %dma_wait3A_170] : memref<32x4x128xi32, #tpu.memory_space<hbm>> -> memref<1x4x128xi32, #tpu.memory_space<hbm>>
      %dma_wait3A_172 = tpu.memref_squeeze %dma_wait3A_171 : memref<1x4x128xi32, #tpu.memory_space<hbm>> -> memref<4x128xi32, #tpu.memory_space<hbm>>
      %dma_wait3A_173 = arith.constant 0 : i32
      %dma_wait3A_174 = arith.constant 0 : i32
      %dma_wait3A_175 = tpu.memref_slice %arg5[%add3A, %dma_wait3A_173, %dma_wait3A_174] : memref<32x4x128xi32, #tpu.memory_space<hbm>> -> memref<1x4x128xi32, #tpu.memory_space<hbm>>
      %dma_wait3A_176 = tpu.memref_squeeze %dma_wait3A_175 : memref<1x4x128xi32, #tpu.memory_space<hbm>> -> memref<4x128xi32, #tpu.memory_space<hbm>>
      tpu.wait_dma2 semaphore(%run_scoped3A : memref<!tpu.dma_semaphore, #tpu.memory_space<semaphore_mem>>) src(%dma_wait3A_176 : memref<4x128xi32, #tpu.memory_space<hbm>>) dst(%arg9 : memref<4x128xi32, #tpu.memory_space<vmem>>)
      tpu.yield
    }) : () -> ()
    %dma_start3A = arith.constant 0 : i32
    %dma_start3A_3 = arith.constant 0 : i32
    %dma_start3A_4 = arith.constant 0 : i32
    %dma_start3A_5 = tpu.memref_slice %arg10[%dma_start3A_3, %dma_start3A_4] : memref<512x128xf32, #tpu.memory_space<vmem>> -> memref<128x128xf32, #tpu.memory_space<vmem>>
    %dma_start3A_6 = arith.constant 0 : i32
    %dma_start3A_7 = tpu.memref_slice %arg8[%dma_start3A, %dma_start3A_6] : memref<4x128xi32, #tpu.memory_space<vmem>> -> memref<1x128xi32, #tpu.memory_space<vmem>>
    %dma_start3A_8 = tpu.memref_squeeze %dma_start3A_7 : memref<1x128xi32, #tpu.memory_space<vmem>> -> memref<128xi32, #tpu.memory_space<vmem>>
    %dma_start3A_9 = arith.constant 0 : i32
    %dma_start3A_10 = arith.constant 0 : i32
    %dma_start3A_11 = tpu.memref_slice %arg2[%dma_start3A_9, %dma_start3A_10] : memref<253952x128xf32, #tpu.memory_space<hbm>> -> memref<253952x128xf32, #tpu.memory_space<hbm>>
    tpu.enqueue_indirect_dma source(%dma_start3A_11 : memref<253952x128xf32, #tpu.memory_space<hbm>>) target(%dma_start3A_5 : memref<128x128xf32, #tpu.memory_space<vmem>>) offsets(%dma_start3A_8 : memref<128xi32, #tpu.memory_space<vmem>>) semaphore(%arg11 : memref<!tpu.dma_semaphore, #tpu.memory_space<semaphore_mem>>)
    %dma_start3A_12 = arith.constant 1 : i32
    %dma_start3A_13 = arith.constant 128 : i32
    %dma_start3A_14 = arith.constant 0 : i32
    %dma_start3A_15 = tpu.memref_slice %arg10[%dma_start3A_13, %dma_start3A_14] : memref<512x128xf32, #tpu.memory_space<vmem>> -> memref<128x128xf32, #tpu.memory_space<vmem>>
    %dma_start3A_16 = arith.constant 0 : i32
    %dma_start3A_17 = tpu.memref_slice %arg8[%dma_start3A_12, %dma_start3A_16] : memref<4x128xi32, #tpu.memory_space<vmem>> -> memref<1x128xi32, #tpu.memory_space<vmem>>
    %dma_start3A_18 = tpu.memref_squeeze %dma_start3A_17 : memref<1x128xi32, #tpu.memory_space<vmem>> -> memref<128xi32, #tpu.memory_space<vmem>>
    %dma_start3A_19 = arith.constant 0 : i32
    %dma_start3A_20 = arith.constant 0 : i32
    %dma_start3A_21 = tpu.memref_slice %arg2[%dma_start3A_19, %dma_start3A_20] : memref<253952x128xf32, #tpu.memory_space<hbm>> -> memref<253952x128xf32, #tpu.memory_space<hbm>>
    tpu.enqueue_indirect_dma source(%dma_start3A_21 : memref<253952x128xf32, #tpu.memory_space<hbm>>) target(%dma_start3A_15 : memref<128x128xf32, #tpu.memory_space<vmem>>) offsets(%dma_start3A_18 : memref<128xi32, #tpu.memory_space<vmem>>) semaphore(%arg11 : memref<!tpu.dma_semaphore, #tpu.memory_space<semaphore_mem>>)
    %dma_start3A_22 = arith.constant 2 : i32
    %dma_start3A_23 = arith.constant 256 : i32
    %dma_start3A_24 = arith.constant 0 : i32
    %dma_start3A_25 = tpu.memref_slice %arg10[%dma_start3A_23, %dma_start3A_24] : memref<512x128xf32, #tpu.memory_space<vmem>> -> memref<128x128xf32, #tpu.memory_space<vmem>>
    %dma_start3A_26 = arith.constant 0 : i32
    %dma_start3A_27 = tpu.memref_slice %arg8[%dma_start3A_22, %dma_start3A_26] : memref<4x128xi32, #tpu.memory_space<vmem>> -> memref<1x128xi32, #tpu.memory_space<vmem>>
    %dma_start3A_28 = tpu.memref_squeeze %dma_start3A_27 : memref<1x128xi32, #tpu.memory_space<vmem>> -> memref<128xi32, #tpu.memory_space<vmem>>
    %dma_start3A_29 = arith.constant 0 : i32
    %dma_start3A_30 = arith.constant 0 : i32
    %dma_start3A_31 = tpu.memref_slice %arg2[%dma_start3A_29, %dma_start3A_30] : memref<253952x128xf32, #tpu.memory_space<hbm>> -> memref<253952x128xf32, #tpu.memory_space<hbm>>
    tpu.enqueue_indirect_dma source(%dma_start3A_31 : memref<253952x128xf32, #tpu.memory_space<hbm>>) target(%dma_start3A_25 : memref<128x128xf32, #tpu.memory_space<vmem>>) offsets(%dma_start3A_28 : memref<128xi32, #tpu.memory_space<vmem>>) semaphore(%arg11 : memref<!tpu.dma_semaphore, #tpu.memory_space<semaphore_mem>>)
    %dma_start3A_32 = arith.constant 3 : i32
    %dma_start3A_33 = arith.constant 384 : i32
    %dma_start3A_34 = arith.constant 0 : i32
    %dma_start3A_35 = tpu.memref_slice %arg10[%dma_start3A_33, %dma_start3A_34] : memref<512x128xf32, #tpu.memory_space<vmem>> -> memref<128x128xf32, #tpu.memory_space<vmem>>
    %dma_start3A_36 = arith.constant 0 : i32
    %dma_start3A_37 = tpu.memref_slice %arg8[%dma_start3A_32, %dma_start3A_36] : memref<4x128xi32, #tpu.memory_space<vmem>> -> memref<1x128xi32, #tpu.memory_space<vmem>>
    %dma_start3A_38 = tpu.memref_squeeze %dma_start3A_37 : memref<1x128xi32, #tpu.memory_space<vmem>> -> memref<128xi32, #tpu.memory_space<vmem>>
    %dma_start3A_39 = arith.constant 0 : i32
    %dma_start3A_40 = arith.constant 0 : i32
    %dma_start3A_41 = tpu.memref_slice %arg2[%dma_start3A_39, %dma_start3A_40] : memref<253952x128xf32, #tpu.memory_space<hbm>> -> memref<253952x128xf32, #tpu.memory_space<hbm>>
    tpu.enqueue_indirect_dma source(%dma_start3A_41 : memref<253952x128xf32, #tpu.memory_space<hbm>>) target(%dma_start3A_35 : memref<128x128xf32, #tpu.memory_space<vmem>>) offsets(%dma_start3A_38 : memref<128xi32, #tpu.memory_space<vmem>>) semaphore(%arg11 : memref<!tpu.dma_semaphore, #tpu.memory_space<semaphore_mem>>)
    %dma_wait3A = arith.constant 0 : i32
    %dma_wait3A_42 = arith.constant 0 : i32
    %dma_wait3A_43 = arith.constant 0 : i32
    %dma_wait3A_44 = tpu.memref_slice %arg10[%dma_wait3A_42, %dma_wait3A_43] : memref<512x128xf32, #tpu.memory_space<vmem>> -> memref<128x128xf32, #tpu.memory_space<vmem>>
    %dma_wait3A_45 = arith.constant 0 : i32
    %dma_wait3A_46 = tpu.memref_slice %arg8[%dma_wait3A, %dma_wait3A_45] : memref<4x128xi32, #tpu.memory_space<vmem>> -> memref<1x128xi32, #tpu.memory_space<vmem>>
    %dma_wait3A_47 = tpu.memref_squeeze %dma_wait3A_46 : memref<1x128xi32, #tpu.memory_space<vmem>> -> memref<128xi32, #tpu.memory_space<vmem>>
    %dma_wait3A_48 = arith.constant 0 : i32
    %dma_wait3A_49 = arith.constant 0 : i32
    %dma_wait3A_50 = tpu.memref_slice %arg2[%dma_wait3A_48, %dma_wait3A_49] : memref<253952x128xf32, #tpu.memory_space<hbm>> -> memref<253952x128xf32, #tpu.memory_space<hbm>>
    tpu.wait_indirect_dma semaphore(%arg11 : memref<!tpu.dma_semaphore, #tpu.memory_space<semaphore_mem>>) src(%dma_wait3A_50 : memref<253952x128xf32, #tpu.memory_space<hbm>>) dst(%dma_wait3A_44 : memref<128x128xf32, #tpu.memory_space<vmem>>)
    %dma_wait3A_51 = arith.constant 1 : i32
    %dma_wait3A_52 = arith.constant 128 : i32
    %dma_wait3A_53 = arith.constant 0 : i32
    %dma_wait3A_54 = tpu.memref_slice %arg10[%dma_wait3A_52, %dma_wait3A_53] : memref<512x128xf32, #tpu.memory_space<vmem>> -> memref<128x128xf32, #tpu.memory_space<vmem>>
    %dma_wait3A_55 = arith.constant 0 : i32
    %dma_wait3A_56 = tpu.memref_slice %arg8[%dma_wait3A_51, %dma_wait3A_55] : memref<4x128xi32, #tpu.memory_space<vmem>> -> memref<1x128xi32, #tpu.memory_space<vmem>>
    %dma_wait3A_57 = tpu.memref_squeeze %dma_wait3A_56 : memref<1x128xi32, #tpu.memory_space<vmem>> -> memref<128xi32, #tpu.memory_space<vmem>>
    %dma_wait3A_58 = arith.constant 0 : i32
    %dma_wait3A_59 = arith.constant 0 : i32
    %dma_wait3A_60 = tpu.memref_slice %arg2[%dma_wait3A_58, %dma_wait3A_59] : memref<253952x128xf32, #tpu.memory_space<hbm>> -> memref<253952x128xf32, #tpu.memory_space<hbm>>
    tpu.wait_indirect_dma semaphore(%arg11 : memref<!tpu.dma_semaphore, #tpu.memory_space<semaphore_mem>>) src(%dma_wait3A_60 : memref<253952x128xf32, #tpu.memory_space<hbm>>) dst(%dma_wait3A_54 : memref<128x128xf32, #tpu.memory_space<vmem>>)
    %dma_wait3A_61 = arith.constant 2 : i32
    %dma_wait3A_62 = arith.constant 256 : i32
    %dma_wait3A_63 = arith.constant 0 : i32
    %dma_wait3A_64 = tpu.memref_slice %arg10[%dma_wait3A_62, %dma_wait3A_63] : memref<512x128xf32, #tpu.memory_space<vmem>> -> memref<128x128xf32, #tpu.memory_space<vmem>>
    %dma_wait3A_65 = arith.constant 0 : i32
    %dma_wait3A_66 = tpu.memref_slice %arg8[%dma_wait3A_61, %dma_wait3A_65] : memref<4x128xi32, #tpu.memory_space<vmem>> -> memref<1x128xi32, #tpu.memory_space<vmem>>
    %dma_wait3A_67 = tpu.memref_squeeze %dma_wait3A_66 : memref<1x128xi32, #tpu.memory_space<vmem>> -> memref<128xi32, #tpu.memory_space<vmem>>
    %dma_wait3A_68 = arith.constant 0 : i32
    %dma_wait3A_69 = arith.constant 0 : i32
    %dma_wait3A_70 = tpu.memref_slice %arg2[%dma_wait3A_68, %dma_wait3A_69] : memref<253952x128xf32, #tpu.memory_space<hbm>> -> memref<253952x128xf32, #tpu.memory_space<hbm>>
    tpu.wait_indirect_dma semaphore(%arg11 : memref<!tpu.dma_semaphore, #tpu.memory_space<semaphore_mem>>) src(%dma_wait3A_70 : memref<253952x128xf32, #tpu.memory_space<hbm>>) dst(%dma_wait3A_64 : memref<128x128xf32, #tpu.memory_space<vmem>>)
    %dma_wait3A_71 = arith.constant 3 : i32
    %dma_wait3A_72 = arith.constant 384 : i32
    %dma_wait3A_73 = arith.constant 0 : i32
    %dma_wait3A_74 = tpu.memref_slice %arg10[%dma_wait3A_72, %dma_wait3A_73] : memref<512x128xf32, #tpu.memory_space<vmem>> -> memref<128x128xf32, #tpu.memory_space<vmem>>
    %dma_wait3A_75 = arith.constant 0 : i32
    %dma_wait3A_76 = tpu.memref_slice %arg8[%dma_wait3A_71, %dma_wait3A_75] : memref<4x128xi32, #tpu.memory_space<vmem>> -> memref<1x128xi32, #tpu.memory_space<vmem>>
    %dma_wait3A_77 = tpu.memref_squeeze %dma_wait3A_76 : memref<1x128xi32, #tpu.memory_space<vmem>> -> memref<128xi32, #tpu.memory_space<vmem>>
    %dma_wait3A_78 = arith.constant 0 : i32
    %dma_wait3A_79 = arith.constant 0 : i32
    %dma_wait3A_80 = tpu.memref_slice %arg2[%dma_wait3A_78, %dma_wait3A_79] : memref<253952x128xf32, #tpu.memory_space<hbm>> -> memref<253952x128xf32, #tpu.memory_space<hbm>>
    tpu.wait_indirect_dma semaphore(%arg11 : memref<!tpu.dma_semaphore, #tpu.memory_space<semaphore_mem>>) src(%dma_wait3A_80 : memref<253952x128xf32, #tpu.memory_space<hbm>>) dst(%dma_wait3A_74 : memref<128x128xf32, #tpu.memory_space<vmem>>)
    "tpu.region"() ({
      %run_scoped3A = tpu.sem_alloc : memref<!tpu.dma_semaphore, #tpu.memory_space<semaphore_mem>>
      %dma_start3A_161 = arith.constant 0 : i32
      %dma_start3A_162 = tpu.memref_slice %arg6[%mul3A_2, %dma_start3A_161] : memref<16384x128xf32, #tpu.memory_space<hbm>> -> memref<512x128xf32, #tpu.memory_space<hbm>>
      %dma_start3A_163 = arith.constant 0 : i32
      %dma_start3A_164 = tpu.memref_slice %arg6[%mul3A_2, %dma_start3A_163] : memref<16384x128xf32, #tpu.memory_space<hbm>> -> memref<512x128xf32, #tpu.memory_space<hbm>>
      tpu.enqueue_dma source(%arg10 : memref<512x128xf32, #tpu.memory_space<vmem>>) target(%dma_start3A_164 : memref<512x128xf32, #tpu.memory_space<hbm>>) target_semaphore(%run_scoped3A : memref<!tpu.dma_semaphore, #tpu.memory_space<semaphore_mem>>)
      %dma_wait3A_165 = arith.constant 0 : i32
      %dma_wait3A_166 = tpu.memref_slice %arg6[%mul3A_2, %dma_wait3A_165] : memref<16384x128xf32, #tpu.memory_space<hbm>> -> memref<512x128xf32, #tpu.memory_space<hbm>>
      %dma_wait3A_167 = arith.constant 0 : i32
      %dma_wait3A_168 = tpu.memref_slice %arg6[%mul3A_2, %dma_wait3A_167] : memref<16384x128xf32, #tpu.memory_space<hbm>> -> memref<512x128xf32, #tpu.memory_space<hbm>>
      tpu.wait_dma2 semaphore(%run_scoped3A : memref<!tpu.dma_semaphore, #tpu.memory_space<semaphore_mem>>) src(%arg10 : memref<512x128xf32, #tpu.memory_space<vmem>>) dst(%dma_wait3A_168 : memref<512x128xf32, #tpu.memory_space<hbm>>)
      tpu.yield
    }) : () -> ()
    %dma_start3A_81 = arith.constant 0 : i32
    %dma_start3A_82 = arith.constant 0 : i32
    %dma_start3A_83 = arith.constant 0 : i32
    %dma_start3A_84 = tpu.memref_slice %arg10[%dma_start3A_82, %dma_start3A_83] : memref<512x128xf32, #tpu.memory_space<vmem>> -> memref<128x128xf32, #tpu.memory_space<vmem>>
    %dma_start3A_85 = arith.constant 0 : i32
    %dma_start3A_86 = tpu.memref_slice %arg9[%dma_start3A_81, %dma_start3A_85] : memref<4x128xi32, #tpu.memory_space<vmem>> -> memref<1x128xi32, #tpu.memory_space<vmem>>
    %dma_start3A_87 = tpu.memref_squeeze %dma_start3A_86 : memref<1x128xi32, #tpu.memory_space<vmem>> -> memref<128xi32, #tpu.memory_space<vmem>>
    %dma_start3A_88 = arith.constant 0 : i32
    %dma_start3A_89 = arith.constant 0 : i32
    %dma_start3A_90 = tpu.memref_slice %arg3[%dma_start3A_88, %dma_start3A_89] : memref<25088x128xf32, #tpu.memory_space<hbm>> -> memref<25088x128xf32, #tpu.memory_space<hbm>>
    tpu.enqueue_indirect_dma source(%dma_start3A_90 : memref<25088x128xf32, #tpu.memory_space<hbm>>) target(%dma_start3A_84 : memref<128x128xf32, #tpu.memory_space<vmem>>) offsets(%dma_start3A_87 : memref<128xi32, #tpu.memory_space<vmem>>) semaphore(%arg11 : memref<!tpu.dma_semaphore, #tpu.memory_space<semaphore_mem>>)
    %dma_start3A_91 = arith.constant 1 : i32
    %dma_start3A_92 = arith.constant 128 : i32
    %dma_start3A_93 = arith.constant 0 : i32
    %dma_start3A_94 = tpu.memref_slice %arg10[%dma_start3A_92, %dma_start3A_93] : memref<512x128xf32, #tpu.memory_space<vmem>> -> memref<128x128xf32, #tpu.memory_space<vmem>>
    %dma_start3A_95 = arith.constant 0 : i32
    %dma_start3A_96 = tpu.memref_slice %arg9[%dma_start3A_91, %dma_start3A_95] : memref<4x128xi32, #tpu.memory_space<vmem>> -> memref<1x128xi32, #tpu.memory_space<vmem>>
    %dma_start3A_97 = tpu.memref_squeeze %dma_start3A_96 : memref<1x128xi32, #tpu.memory_space<vmem>> -> memref<128xi32, #tpu.memory_space<vmem>>
    %dma_start3A_98 = arith.constant 0 : i32
    %dma_start3A_99 = arith.constant 0 : i32
    %dma_start3A_100 = tpu.memref_slice %arg3[%dma_start3A_98, %dma_start3A_99] : memref<25088x128xf32, #tpu.memory_space<hbm>> -> memref<25088x128xf32, #tpu.memory_space<hbm>>
    tpu.enqueue_indirect_dma source(%dma_start3A_100 : memref<25088x128xf32, #tpu.memory_space<hbm>>) target(%dma_start3A_94 : memref<128x128xf32, #tpu.memory_space<vmem>>) offsets(%dma_start3A_97 : memref<128xi32, #tpu.memory_space<vmem>>) semaphore(%arg11 : memref<!tpu.dma_semaphore, #tpu.memory_space<semaphore_mem>>)
    %dma_start3A_101 = arith.constant 2 : i32
    %dma_start3A_102 = arith.constant 256 : i32
    %dma_start3A_103 = arith.constant 0 : i32
    %dma_start3A_104 = tpu.memref_slice %arg10[%dma_start3A_102, %dma_start3A_103] : memref<512x128xf32, #tpu.memory_space<vmem>> -> memref<128x128xf32, #tpu.memory_space<vmem>>
    %dma_start3A_105 = arith.constant 0 : i32
    %dma_start3A_106 = tpu.memref_slice %arg9[%dma_start3A_101, %dma_start3A_105] : memref<4x128xi32, #tpu.memory_space<vmem>> -> memref<1x128xi32, #tpu.memory_space<vmem>>
    %dma_start3A_107 = tpu.memref_squeeze %dma_start3A_106 : memref<1x128xi32, #tpu.memory_space<vmem>> -> memref<128xi32, #tpu.memory_space<vmem>>
    %dma_start3A_108 = arith.constant 0 : i32
    %dma_start3A_109 = arith.constant 0 : i32
    %dma_start3A_110 = tpu.memref_slice %arg3[%dma_start3A_108, %dma_start3A_109] : memref<25088x128xf32, #tpu.memory_space<hbm>> -> memref<25088x128xf32, #tpu.memory_space<hbm>>
    tpu.enqueue_indirect_dma source(%dma_start3A_110 : memref<25088x128xf32, #tpu.memory_space<hbm>>) target(%dma_start3A_104 : memref<128x128xf32, #tpu.memory_space<vmem>>) offsets(%dma_start3A_107 : memref<128xi32, #tpu.memory_space<vmem>>) semaphore(%arg11 : memref<!tpu.dma_semaphore, #tpu.memory_space<semaphore_mem>>)
    %dma_start3A_111 = arith.constant 3 : i32
    %dma_start3A_112 = arith.constant 384 : i32
    %dma_start3A_113 = arith.constant 0 : i32
    %dma_start3A_114 = tpu.memref_slice %arg10[%dma_start3A_112, %dma_start3A_113] : memref<512x128xf32, #tpu.memory_space<vmem>> -> memref<128x128xf32, #tpu.memory_space<vmem>>
    %dma_start3A_115 = arith.constant 0 : i32
    %dma_start3A_116 = tpu.memref_slice %arg9[%dma_start3A_111, %dma_start3A_115] : memref<4x128xi32, #tpu.memory_space<vmem>> -> memref<1x128xi32, #tpu.memory_space<vmem>>
    %dma_start3A_117 = tpu.memref_squeeze %dma_start3A_116 : memref<1x128xi32, #tpu.memory_space<vmem>> -> memref<128xi32, #tpu.memory_space<vmem>>
    %dma_start3A_118 = arith.constant 0 : i32
    %dma_start3A_119 = arith.constant 0 : i32
    %dma_start3A_120 = tpu.memref_slice %arg3[%dma_start3A_118, %dma_start3A_119] : memref<25088x128xf32, #tpu.memory_space<hbm>> -> memref<25088x128xf32, #tpu.memory_space<hbm>>
    tpu.enqueue_indirect_dma source(%dma_start3A_120 : memref<25088x128xf32, #tpu.memory_space<hbm>>) target(%dma_start3A_114 : memref<128x128xf32, #tpu.memory_space<vmem>>) offsets(%dma_start3A_117 : memref<128xi32, #tpu.memory_space<vmem>>) semaphore(%arg11 : memref<!tpu.dma_semaphore, #tpu.memory_space<semaphore_mem>>)
    %dma_wait3A_121 = arith.constant 0 : i32
    %dma_wait3A_122 = arith.constant 0 : i32
    %dma_wait3A_123 = arith.constant 0 : i32
    %dma_wait3A_124 = tpu.memref_slice %arg10[%dma_wait3A_122, %dma_wait3A_123] : memref<512x128xf32, #tpu.memory_space<vmem>> -> memref<128x128xf32, #tpu.memory_space<vmem>>
    %dma_wait3A_125 = arith.constant 0 : i32
    %dma_wait3A_126 = tpu.memref_slice %arg9[%dma_wait3A_121, %dma_wait3A_125] : memref<4x128xi32, #tpu.memory_space<vmem>> -> memref<1x128xi32, #tpu.memory_space<vmem>>
    %dma_wait3A_127 = tpu.memref_squeeze %dma_wait3A_126 : memref<1x128xi32, #tpu.memory_space<vmem>> -> memref<128xi32, #tpu.memory_space<vmem>>
    %dma_wait3A_128 = arith.constant 0 : i32
    %dma_wait3A_129 = arith.constant 0 : i32
    %dma_wait3A_130 = tpu.memref_slice %arg3[%dma_wait3A_128, %dma_wait3A_129] : memref<25088x128xf32, #tpu.memory_space<hbm>> -> memref<25088x128xf32, #tpu.memory_space<hbm>>
    tpu.wait_indirect_dma semaphore(%arg11 : memref<!tpu.dma_semaphore, #tpu.memory_space<semaphore_mem>>) src(%dma_wait3A_130 : memref<25088x128xf32, #tpu.memory_space<hbm>>) dst(%dma_wait3A_124 : memref<128x128xf32, #tpu.memory_space<vmem>>)
    %dma_wait3A_131 = arith.constant 1 : i32
    %dma_wait3A_132 = arith.constant 128 : i32
    %dma_wait3A_133 = arith.constant 0 : i32
    %dma_wait3A_134 = tpu.memref_slice %arg10[%dma_wait3A_132, %dma_wait3A_133] : memref<512x128xf32, #tpu.memory_space<vmem>> -> memref<128x128xf32, #tpu.memory_space<vmem>>
    %dma_wait3A_135 = arith.constant 0 : i32
    %dma_wait3A_136 = tpu.memref_slice %arg9[%dma_wait3A_131, %dma_wait3A_135] : memref<4x128xi32, #tpu.memory_space<vmem>> -> memref<1x128xi32, #tpu.memory_space<vmem>>
    %dma_wait3A_137 = tpu.memref_squeeze %dma_wait3A_136 : memref<1x128xi32, #tpu.memory_space<vmem>> -> memref<128xi32, #tpu.memory_space<vmem>>
    %dma_wait3A_138 = arith.constant 0 : i32
    %dma_wait3A_139 = arith.constant 0 : i32
    %dma_wait3A_140 = tpu.memref_slice %arg3[%dma_wait3A_138, %dma_wait3A_139] : memref<25088x128xf32, #tpu.memory_space<hbm>> -> memref<25088x128xf32, #tpu.memory_space<hbm>>
    tpu.wait_indirect_dma semaphore(%arg11 : memref<!tpu.dma_semaphore, #tpu.memory_space<semaphore_mem>>) src(%dma_wait3A_140 : memref<25088x128xf32, #tpu.memory_space<hbm>>) dst(%dma_wait3A_134 : memref<128x128xf32, #tpu.memory_space<vmem>>)
    %dma_wait3A_141 = arith.constant 2 : i32
    %dma_wait3A_142 = arith.constant 256 : i32
    %dma_wait3A_143 = arith.constant 0 : i32
    %dma_wait3A_144 = tpu.memref_slice %arg10[%dma_wait3A_142, %dma_wait3A_143] : memref<512x128xf32, #tpu.memory_space<vmem>> -> memref<128x128xf32, #tpu.memory_space<vmem>>
    %dma_wait3A_145 = arith.constant 0 : i32
    %dma_wait3A_146 = tpu.memref_slice %arg9[%dma_wait3A_141, %dma_wait3A_145] : memref<4x128xi32, #tpu.memory_space<vmem>> -> memref<1x128xi32, #tpu.memory_space<vmem>>
    %dma_wait3A_147 = tpu.memref_squeeze %dma_wait3A_146 : memref<1x128xi32, #tpu.memory_space<vmem>> -> memref<128xi32, #tpu.memory_space<vmem>>
    %dma_wait3A_148 = arith.constant 0 : i32
    %dma_wait3A_149 = arith.constant 0 : i32
    %dma_wait3A_150 = tpu.memref_slice %arg3[%dma_wait3A_148, %dma_wait3A_149] : memref<25088x128xf32, #tpu.memory_space<hbm>> -> memref<25088x128xf32, #tpu.memory_space<hbm>>
    tpu.wait_indirect_dma semaphore(%arg11 : memref<!tpu.dma_semaphore, #tpu.memory_space<semaphore_mem>>) src(%dma_wait3A_150 : memref<25088x128xf32, #tpu.memory_space<hbm>>) dst(%dma_wait3A_144 : memref<128x128xf32, #tpu.memory_space<vmem>>)
    %dma_wait3A_151 = arith.constant 3 : i32
    %dma_wait3A_152 = arith.constant 384 : i32
    %dma_wait3A_153 = arith.constant 0 : i32
    %dma_wait3A_154 = tpu.memref_slice %arg10[%dma_wait3A_152, %dma_wait3A_153] : memref<512x128xf32, #tpu.memory_space<vmem>> -> memref<128x128xf32, #tpu.memory_space<vmem>>
    %dma_wait3A_155 = arith.constant 0 : i32
    %dma_wait3A_156 = tpu.memref_slice %arg9[%dma_wait3A_151, %dma_wait3A_155] : memref<4x128xi32, #tpu.memory_space<vmem>> -> memref<1x128xi32, #tpu.memory_space<vmem>>
    %dma_wait3A_157 = tpu.memref_squeeze %dma_wait3A_156 : memref<1x128xi32, #tpu.memory_space<vmem>> -> memref<128xi32, #tpu.memory_space<vmem>>
    %dma_wait3A_158 = arith.constant 0 : i32
    %dma_wait3A_159 = arith.constant 0 : i32
    %dma_wait3A_160 = tpu.memref_slice %arg3[%dma_wait3A_158, %dma_wait3A_159] : memref<25088x128xf32, #tpu.memory_space<hbm>> -> memref<25088x128xf32, #tpu.memory_space<hbm>>
    tpu.wait_indirect_dma semaphore(%arg11 : memref<!tpu.dma_semaphore, #tpu.memory_space<semaphore_mem>>) src(%dma_wait3A_160 : memref<25088x128xf32, #tpu.memory_space<hbm>>) dst(%dma_wait3A_154 : memref<128x128xf32, #tpu.memory_space<vmem>>)
    "tpu.region"() ({
      %run_scoped3A = tpu.sem_alloc : memref<!tpu.dma_semaphore, #tpu.memory_space<semaphore_mem>>
      %dma_start3A_161 = arith.constant 0 : i32
      %dma_start3A_162 = tpu.memref_slice %arg7[%mul3A_2, %dma_start3A_161] : memref<16384x128xf32, #tpu.memory_space<hbm>> -> memref<512x128xf32, #tpu.memory_space<hbm>>
      %dma_start3A_163 = arith.constant 0 : i32
      %dma_start3A_164 = tpu.memref_slice %arg7[%mul3A_2, %dma_start3A_163] : memref<16384x128xf32, #tpu.memory_space<hbm>> -> memref<512x128xf32, #tpu.memory_space<hbm>>
      tpu.enqueue_dma source(%arg10 : memref<512x128xf32, #tpu.memory_space<vmem>>) target(%dma_start3A_164 : memref<512x128xf32, #tpu.memory_space<hbm>>) target_semaphore(%run_scoped3A : memref<!tpu.dma_semaphore, #tpu.memory_space<semaphore_mem>>)
      %dma_wait3A_165 = arith.constant 0 : i32
      %dma_wait3A_166 = tpu.memref_slice %arg7[%mul3A_2, %dma_wait3A_165] : memref<16384x128xf32, #tpu.memory_space<hbm>> -> memref<512x128xf32, #tpu.memory_space<hbm>>
      %dma_wait3A_167 = arith.constant 0 : i32
      %dma_wait3A_168 = tpu.memref_slice %arg7[%mul3A_2, %dma_wait3A_167] : memref<16384x128xf32, #tpu.memory_space<hbm>> -> memref<512x128xf32, #tpu.memory_space<hbm>>
      tpu.wait_dma2 semaphore(%run_scoped3A : memref<!tpu.dma_semaphore, #tpu.memory_space<semaphore_mem>>) src(%arg10 : memref<512x128xf32, #tpu.memory_space<vmem>>) dst(%dma_wait3A_168 : memref<512x128xf32, #tpu.memory_space<hbm>>)
      tpu.yield
    }) : () -> ()
    return
  }
}

module attributes {stable_mosaic.version = 14 : i64} {
  func.func @_repack_body(%arg0: i32, %arg1: memref<32x15872xf32, #tpu.memory_space<vmem>>, %arg2: memref<3968x128xf32, #tpu.memory_space<vmem>>) attributes {dimension_semantics = [#tpu.dimension_semantics<arbitrary>], iteration_bounds = array<i64: 64>, scalar_prefetch = 0 : i64, scratch_operands = 0 : i64, tpu.core_type = #tpu.core_type<tc>, window_params = [{transform_indices = @transform_0, window_bounds = array<i64: 32, 15872>}, {transform_indices = @transform_1, window_bounds = array<i64: 3968, 128>}]} {
    %get3A = arith.constant 0 : index
    %get3A_0 = arith.constant 0 : index
    %get3A_1 = vector.load %arg1[%get3A, %get3A_0] : memref<32x15872xf32, #tpu.memory_space<vmem>>, vector<32x3968xf32>
    %transpose3A = tpu.transpose %get3A_1, [1, 0] : vector<32x3968xf32> -> vector<3968x32xf32>
    %get3A_2 = arith.constant 0 : index
    %get3A_3 = arith.constant 3968 : index
    %get3A_4 = vector.load %arg1[%get3A_2, %get3A_3] : memref<32x15872xf32, #tpu.memory_space<vmem>>, vector<32x3968xf32>
    %transpose3A_5 = tpu.transpose %get3A_4, [1, 0] : vector<32x3968xf32> -> vector<3968x32xf32>
    %get3A_6 = arith.constant 0 : index
    %get3A_7 = arith.constant 7936 : index
    %get3A_8 = vector.load %arg1[%get3A_6, %get3A_7] : memref<32x15872xf32, #tpu.memory_space<vmem>>, vector<32x3968xf32>
    %transpose3A_9 = tpu.transpose %get3A_8, [1, 0] : vector<32x3968xf32> -> vector<3968x32xf32>
    %get3A_10 = arith.constant 0 : index
    %get3A_11 = arith.constant 11904 : index
    %get3A_12 = vector.load %arg1[%get3A_10, %get3A_11] : memref<32x15872xf32, #tpu.memory_space<vmem>>, vector<32x3968xf32>
    %transpose3A_13 = tpu.transpose %get3A_12, [1, 0] : vector<32x3968xf32> -> vector<3968x32xf32>
    %concatenate3A = tpu.concatenate %transpose3A, %transpose3A_5, %transpose3A_9, %transpose3A_13 in 1 : vector<3968x32xf32>, vector<3968x32xf32>, vector<3968x32xf32>, vector<3968x32xf32> -> vector<3968x128xf32>
    %swap3A = arith.constant 0 : index
    %swap3A_14 = arith.constant 0 : index
    %swap3A_15 = vector.load %arg2[%swap3A, %swap3A_14] : memref<3968x128xf32, #tpu.memory_space<vmem>>, vector<3968x128xf32>
    tpu.vector_store %arg2[%swap3A, %swap3A_14], %concatenate3A {strides = array<i32>} : memref<3968x128xf32, #tpu.memory_space<vmem>>, vector<3968x128xf32>,
    return
  }
  func.func @transform_0(%arg0: i32) -> (i32, i32) {
    %c0_i32 = arith.constant 0 : i32
    %c0_i32_0 = arith.constant 0 : i32
    return %c0_i32, %arg0 : i32, i32
  }
  func.func @transform_1(%arg0: i32) -> (i32, i32) {
    %c0_i32 = arith.constant 0 : i32
    %c0_i32_0 = arith.constant 0 : i32
    return %arg0, %c0_i32 : i32, i32
  }
}

module attributes {stable_mosaic.version = 14 : i64} {
  func.func @_repack_body(%arg0: i32, %arg1: memref<32x3584xf32, #tpu.memory_space<vmem>>, %arg2: memref<896x128xf32, #tpu.memory_space<vmem>>) attributes {dimension_semantics = [#tpu.dimension_semantics<arbitrary>], iteration_bounds = array<i64: 28>, scalar_prefetch = 0 : i64, scratch_operands = 0 : i64, tpu.core_type = #tpu.core_type<tc>, window_params = [{transform_indices = @transform_0, window_bounds = array<i64: 32, 3584>}, {transform_indices = @transform_1, window_bounds = array<i64: 896, 128>}]} {
    %get3A = arith.constant 0 : index
    %get3A_0 = arith.constant 0 : index
    %get3A_1 = vector.load %arg1[%get3A, %get3A_0] : memref<32x3584xf32, #tpu.memory_space<vmem>>, vector<32x896xf32>
    %transpose3A = tpu.transpose %get3A_1, [1, 0] : vector<32x896xf32> -> vector<896x32xf32>
    %get3A_2 = arith.constant 0 : index
    %get3A_3 = arith.constant 896 : index
    %get3A_4 = vector.load %arg1[%get3A_2, %get3A_3] : memref<32x3584xf32, #tpu.memory_space<vmem>>, vector<32x896xf32>
    %transpose3A_5 = tpu.transpose %get3A_4, [1, 0] : vector<32x896xf32> -> vector<896x32xf32>
    %get3A_6 = arith.constant 0 : index
    %get3A_7 = arith.constant 1792 : index
    %get3A_8 = vector.load %arg1[%get3A_6, %get3A_7] : memref<32x3584xf32, #tpu.memory_space<vmem>>, vector<32x896xf32>
    %transpose3A_9 = tpu.transpose %get3A_8, [1, 0] : vector<32x896xf32> -> vector<896x32xf32>
    %get3A_10 = arith.constant 0 : index
    %get3A_11 = arith.constant 2688 : index
    %get3A_12 = vector.load %arg1[%get3A_10, %get3A_11] : memref<32x3584xf32, #tpu.memory_space<vmem>>, vector<32x896xf32>
    %transpose3A_13 = tpu.transpose %get3A_12, [1, 0] : vector<32x896xf32> -> vector<896x32xf32>
    %concatenate3A = tpu.concatenate %transpose3A, %transpose3A_5, %transpose3A_9, %transpose3A_13 in 1 : vector<896x32xf32>, vector<896x32xf32>, vector<896x32xf32>, vector<896x32xf32> -> vector<896x128xf32>
    %swap3A = arith.constant 0 : index
    %swap3A_14 = arith.constant 0 : index
    %swap3A_15 = vector.load %arg2[%swap3A, %swap3A_14] : memref<896x128xf32, #tpu.memory_space<vmem>>, vector<896x128xf32>
    tpu.vector_store %arg2[%swap3A, %swap3A_14], %concatenate3A {strides = array<i32>} : memref<896x128xf32, #tpu.memory_space<vmem>>, vector<896x128xf32>,
    return
  }
  func.func @transform_0(%arg0: i32) -> (i32, i32) {
    %c0_i32 = arith.constant 0 : i32
    %c0_i32_0 = arith.constant 0 : i32
    return %c0_i32, %arg0 : i32, i32
  }
  func.func @transform_1(%arg0: i32) -> (i32, i32) {
    %c0_i32 = arith.constant 0 : i32
    %c0_i32_0 = arith.constant 0 : i32
    return %arg0, %c0_i32 : i32, i32
  }
}

module attributes {stable_mosaic.version = 14 : i64} {
  func.func @_mlp_body(%arg0: i32, %arg1: memref<2048x128xf32, #tpu.memory_space<vmem>>, %arg2: memref<2048x128xf32, #tpu.memory_space<vmem>>, %arg3: memref<2048xi32, #tpu.memory_space<vmem>>, %arg4: memref<2048xi32, #tpu.memory_space<vmem>>, %arg5: memref<32x64xf32, #tpu.memory_space<vmem>>, %arg6: memref<32x64xf32, #tpu.memory_space<vmem>>, %arg7: memref<1x64xf32, #tpu.memory_space<vmem>>, %arg8: memref<64x32xf32, #tpu.memory_space<vmem>>, %arg9: memref<1x32xf32, #tpu.memory_space<vmem>>, %arg10: memref<1x32xf32, #tpu.memory_space<vmem>>, %arg11: memref<1xf32, #tpu.memory_space<vmem>>, %arg12: memref<2048xf32, #tpu.memory_space<vmem>>) attributes {dimension_semantics = [#tpu.dimension_semantics<arbitrary>], iteration_bounds = array<i64: 8>, scalar_prefetch = 0 : i64, scratch_operands = 0 : i64, tpu.core_type = #tpu.core_type<tc>, window_params = [{transform_indices = @transform_0, window_bounds = array<i64: 2048, 128>}, {transform_indices = @transform_1, window_bounds = array<i64: 2048, 128>}, {transform_indices = @transform_2, window_bounds = array<i64: 2048>}, {transform_indices = @transform_3, window_bounds = array<i64: 2048>}, {pipeline_mode = #tpu.pipeline_mode<synchronous>, transform_indices = @transform_4, window_bounds = array<i64: 32, 64>}, {pipeline_mode = #tpu.pipeline_mode<synchronous>, transform_indices = @transform_5, window_bounds = array<i64: 32, 64>}, {pipeline_mode = #tpu.pipeline_mode<synchronous>, transform_indices = @transform_6, window_bounds = array<i64: 1, 64>}, {pipeline_mode = #tpu.pipeline_mode<synchronous>, transform_indices = @transform_7, window_bounds = array<i64: 64, 32>}, {pipeline_mode = #tpu.pipeline_mode<synchronous>, transform_indices = @transform_8, window_bounds = array<i64: 1, 32>}, {pipeline_mode = #tpu.pipeline_mode<synchronous>, transform_indices = @transform_9, window_bounds = array<i64: 1, 32>}, {pipeline_mode = #tpu.pipeline_mode<synchronous>, transform_indices = @transform_10, window_bounds = array<i64: 1>}, {transform_indices = @transform_11, window_bounds = array<i64: 2048>}]} {
    %get3A = arith.constant 0 : index
    %get3A_0 = arith.constant 0 : index
    %get3A_1 = vector.load %arg1[%get3A, %get3A_0] : memref<2048x128xf32, #tpu.memory_space<vmem>>, vector<2048x128xf32>
    %get3A_2 = arith.constant 0 : index
    %get3A_3 = vector.load %arg3[%get3A_2] : memref<2048xi32, #tpu.memory_space<vmem>>, vector<2048xi32>
    %broadcast_in_dim3A = arith.constant 0.000000e+00 : f32
    %broadcast_in_dim3A_4 = vector.broadcast %broadcast_in_dim3A : f32 to vector<2048x32xf32>
    %broadcast_in_dim3A_5 = vector.shape_cast %get3A_3 : vector<2048xi32> to vector<2048x1xi32>
    %eq3A = arith.constant 0 : i32
    %eq3A_6 = vector.broadcast %eq3A : i32 to vector<2048x1xi32>
    %eq3A_7 = arith.cmpi eq, %broadcast_in_dim3A_5, %eq3A_6 : vector<2048x1xi32>
    %slice3A = vector.extract_strided_slice %get3A_1 {offsets = [0, 0], sizes = [2048, 32], strides = [1, 1]} : vector<2048x128xf32> to vector<2048x32xf32>
    %broadcast_in_dim3A_8 = vector.shape_cast %eq3A_7 : vector<2048x1xi1> to vector<2048x1xi1>
    %broadcast_in_dim3A_9 = vector.broadcast %broadcast_in_dim3A_8 : vector<2048x1xi1> to vector<2048x32xi1>
    %select_n3A = arith.select %broadcast_in_dim3A_9, %slice3A, %broadcast_in_dim3A_4 : vector<2048x32xi1>, vector<2048x32xf32>
    %eq3A_10 = arith.constant 1 : i32
    %eq3A_11 = vector.broadcast %eq3A_10 : i32 to vector<2048x1xi32>
    %eq3A_12 = arith.cmpi eq, %broadcast_in_dim3A_5, %eq3A_11 : vector<2048x1xi32>
    %slice3A_13 = vector.extract_strided_slice %get3A_1 {offsets = [0, 32], sizes = [2048, 32], strides = [1, 1]} : vector<2048x128xf32> to vector<2048x32xf32>
    %broadcast_in_dim3A_14 = vector.shape_cast %eq3A_12 : vector<2048x1xi1> to vector<2048x1xi1>
    %broadcast_in_dim3A_15 = vector.broadcast %broadcast_in_dim3A_14 : vector<2048x1xi1> to vector<2048x32xi1>
    %select_n3A_16 = arith.select %broadcast_in_dim3A_15, %slice3A_13, %select_n3A : vector<2048x32xi1>, vector<2048x32xf32>
    %eq3A_17 = arith.constant 2 : i32
    %eq3A_18 = vector.broadcast %eq3A_17 : i32 to vector<2048x1xi32>
    %eq3A_19 = arith.cmpi eq, %broadcast_in_dim3A_5, %eq3A_18 : vector<2048x1xi32>
    %slice3A_20 = vector.extract_strided_slice %get3A_1 {offsets = [0, 64], sizes = [2048, 32], strides = [1, 1]} : vector<2048x128xf32> to vector<2048x32xf32>
    %broadcast_in_dim3A_21 = vector.shape_cast %eq3A_19 : vector<2048x1xi1> to vector<2048x1xi1>
    %broadcast_in_dim3A_22 = vector.broadcast %broadcast_in_dim3A_21 : vector<2048x1xi1> to vector<2048x32xi1>
    %select_n3A_23 = arith.select %broadcast_in_dim3A_22, %slice3A_20, %select_n3A_16 : vector<2048x32xi1>, vector<2048x32xf32>
    %eq3A_24 = arith.constant 3 : i32
    %eq3A_25 = vector.broadcast %eq3A_24 : i32 to vector<2048x1xi32>
    %eq3A_26 = arith.cmpi eq, %broadcast_in_dim3A_5, %eq3A_25 : vector<2048x1xi32>
    %slice3A_27 = vector.extract_strided_slice %get3A_1 {offsets = [0, 96], sizes = [2048, 32], strides = [1, 1]} : vector<2048x128xf32> to vector<2048x32xf32>
    %broadcast_in_dim3A_28 = vector.shape_cast %eq3A_26 : vector<2048x1xi1> to vector<2048x1xi1>
    %broadcast_in_dim3A_29 = vector.broadcast %broadcast_in_dim3A_28 : vector<2048x1xi1> to vector<2048x32xi1>
    %select_n3A_30 = arith.select %broadcast_in_dim3A_29, %slice3A_27, %select_n3A_23 : vector<2048x32xi1>, vector<2048x32xf32>
    %get3A_31 = arith.constant 0 : index
    %get3A_32 = arith.constant 0 : index
    %get3A_33 = vector.load %arg2[%get3A_31, %get3A_32] : memref<2048x128xf32, #tpu.memory_space<vmem>>, vector<2048x128xf32>
    %get3A_34 = arith.constant 0 : index
    %get3A_35 = vector.load %arg4[%get3A_34] : memref<2048xi32, #tpu.memory_space<vmem>>, vector<2048xi32>
    %broadcast_in_dim3A_36 = arith.constant 0.000000e+00 : f32
    %broadcast_in_dim3A_37 = vector.broadcast %broadcast_in_dim3A_36 : f32 to vector<2048x32xf32>
    %broadcast_in_dim3A_38 = vector.shape_cast %get3A_35 : vector<2048xi32> to vector<2048x1xi32>
    %eq3A_39 = arith.constant 0 : i32
    %eq3A_40 = vector.broadcast %eq3A_39 : i32 to vector<2048x1xi32>
    %eq3A_41 = arith.cmpi eq, %broadcast_in_dim3A_38, %eq3A_40 : vector<2048x1xi32>
    %slice3A_42 = vector.extract_strided_slice %get3A_33 {offsets = [0, 0], sizes = [2048, 32], strides = [1, 1]} : vector<2048x128xf32> to vector<2048x32xf32>
    %broadcast_in_dim3A_43 = vector.shape_cast %eq3A_41 : vector<2048x1xi1> to vector<2048x1xi1>
    %broadcast_in_dim3A_44 = vector.broadcast %broadcast_in_dim3A_43 : vector<2048x1xi1> to vector<2048x32xi1>
    %select_n3A_45 = arith.select %broadcast_in_dim3A_44, %slice3A_42, %broadcast_in_dim3A_37 : vector<2048x32xi1>, vector<2048x32xf32>
    %eq3A_46 = arith.constant 1 : i32
    %eq3A_47 = vector.broadcast %eq3A_46 : i32 to vector<2048x1xi32>
    %eq3A_48 = arith.cmpi eq, %broadcast_in_dim3A_38, %eq3A_47 : vector<2048x1xi32>
    %slice3A_49 = vector.extract_strided_slice %get3A_33 {offsets = [0, 32], sizes = [2048, 32], strides = [1, 1]} : vector<2048x128xf32> to vector<2048x32xf32>
    %broadcast_in_dim3A_50 = vector.shape_cast %eq3A_48 : vector<2048x1xi1> to vector<2048x1xi1>
    %broadcast_in_dim3A_51 = vector.broadcast %broadcast_in_dim3A_50 : vector<2048x1xi1> to vector<2048x32xi1>
    %select_n3A_52 = arith.select %broadcast_in_dim3A_51, %slice3A_49, %select_n3A_45 : vector<2048x32xi1>, vector<2048x32xf32>
    %eq3A_53 = arith.constant 2 : i32
    %eq3A_54 = vector.broadcast %eq3A_53 : i32 to vector<2048x1xi32>
    %eq3A_55 = arith.cmpi eq, %broadcast_in_dim3A_38, %eq3A_54 : vector<2048x1xi32>
    %slice3A_56 = vector.extract_strided_slice %get3A_33 {offsets = [0, 64], sizes = [2048, 32], strides = [1, 1]} : vector<2048x128xf32> to vector<2048x32xf32>
    %broadcast_in_dim3A_57 = vector.shape_cast %eq3A_55 : vector<2048x1xi1> to vector<2048x1xi1>
    %broadcast_in_dim3A_58 = vector.broadcast %broadcast_in_dim3A_57 : vector<2048x1xi1> to vector<2048x32xi1>
    %select_n3A_59 = arith.select %broadcast_in_dim3A_58, %slice3A_56, %select_n3A_52 : vector<2048x32xi1>, vector<2048x32xf32>
    %eq3A_60 = arith.constant 3 : i32
    %eq3A_61 = vector.broadcast %eq3A_60 : i32 to vector<2048x1xi32>
    %eq3A_62 = arith.cmpi eq, %broadcast_in_dim3A_38, %eq3A_61 : vector<2048x1xi32>
    %slice3A_63 = vector.extract_strided_slice %get3A_33 {offsets = [0, 96], sizes = [2048, 32], strides = [1, 1]} : vector<2048x128xf32> to vector<2048x32xf32>
    %broadcast_in_dim3A_64 = vector.shape_cast %eq3A_62 : vector<2048x1xi1> to vector<2048x1xi1>
    %broadcast_in_dim3A_65 = vector.broadcast %broadcast_in_dim3A_64 : vector<2048x1xi1> to vector<2048x32xi1>
    %select_n3A_66 = arith.select %broadcast_in_dim3A_65, %slice3A_63, %select_n3A_59 : vector<2048x32xi1>, vector<2048x32xf32>
    %get3A_67 = arith.constant 0 : index
    %get3A_68 = arith.constant 0 : index
    %get3A_69 = vector.load %arg5[%get3A_67, %get3A_68] : memref<32x64xf32, #tpu.memory_space<vmem>>, vector<32x64xf32>
    %dot_general3A = arith.constant dense<0.000000e+00> : vector<2048x64xf32>
    %dot_general3A_70 = tpu.matmul %select_n3A_30, %get3A_69, %dot_general3A {dimension_numbers = #tpu.dot_dimension_numbers<[1], [0], [0], [1], [0, 0, 1, 1], [], []>, transpose_lhs_hint = false} : vector<2048x32xf32>, vector<32x64xf32>, vector<2048x64xf32> -> vector<2048x64xf32>
    %get3A_71 = arith.constant 0 : index
    %get3A_72 = arith.constant 0 : index
    %get3A_73 = vector.load %arg6[%get3A_71, %get3A_72] : memref<32x64xf32, #tpu.memory_space<vmem>>, vector<32x64xf32>
    %dot_general3A_74 = arith.constant dense<0.000000e+00> : vector<2048x64xf32>
    %dot_general3A_75 = tpu.matmul %select_n3A_66, %get3A_73, %dot_general3A_74 {dimension_numbers = #tpu.dot_dimension_numbers<[1], [0], [0], [1], [0, 0, 1, 1], [], []>, transpose_lhs_hint = false} : vector<2048x32xf32>, vector<32x64xf32>, vector<2048x64xf32> -> vector<2048x64xf32>
    %add3A = arith.addf %dot_general3A_70, %dot_general3A_75 : vector<2048x64xf32>
    %get3A_76 = arith.constant 0 : index
    %get3A_77 = arith.constant 0 : index
    %get3A_78 = vector.load %arg7[%get3A_76, %get3A_77] : memref<1x64xf32, #tpu.memory_space<vmem>>, vector<1x64xf32>
    %add3A_79 = vector.broadcast %get3A_78 : vector<1x64xf32> to vector<2048x64xf32>
    %add3A_80 = arith.addf %add3A, %add3A_79 : vector<2048x64xf32>
    %max3A = arith.constant 0.000000e+00 : f32
    %max3A_81 = vector.broadcast %max3A : f32 to vector<2048x64xf32>
    %max3A_82 = arith.maximumf %add3A_80, %max3A_81 : vector<2048x64xf32>
    %get3A_83 = arith.constant 0 : index
    %get3A_84 = arith.constant 0 : index
    %get3A_85 = vector.load %arg8[%get3A_83, %get3A_84] : memref<64x32xf32, #tpu.memory_space<vmem>>, vector<64x32xf32>
    %dot_general3A_86 = arith.constant dense<0.000000e+00> : vector<2048x32xf32>
    %dot_general3A_87 = tpu.matmul %max3A_82, %get3A_85, %dot_general3A_86 {dimension_numbers = #tpu.dot_dimension_numbers<[1], [0], [0], [1], [0, 0, 1, 1], [], []>, transpose_lhs_hint = false} : vector<2048x64xf32>, vector<64x32xf32>, vector<2048x32xf32> -> vector<2048x32xf32>
    %get3A_88 = arith.constant 0 : index
    %get3A_89 = arith.constant 0 : index
    %get3A_90 = vector.load %arg9[%get3A_88, %get3A_89] : memref<1x32xf32, #tpu.memory_space<vmem>>, vector<1x32xf32>
    %add3A_91 = vector.broadcast %get3A_90 : vector<1x32xf32> to vector<2048x32xf32>
    %add3A_92 = arith.addf %dot_general3A_87, %add3A_91 : vector<2048x32xf32>
    %max3A_93 = arith.constant 0.000000e+00 : f32
    %max3A_94 = vector.broadcast %max3A_93 : f32 to vector<2048x32xf32>
    %max3A_95 = arith.maximumf %add3A_92, %max3A_94 : vector<2048x32xf32>
    %get3A_96 = arith.constant 0 : index
    %get3A_97 = arith.constant 0 : index
    %get3A_98 = vector.load %arg10[%get3A_96, %get3A_97] : memref<1x32xf32, #tpu.memory_space<vmem>>, vector<1x32xf32>
    %mul3A = vector.broadcast %get3A_98 : vector<1x32xf32> to vector<2048x32xf32>
    %mul3A_99 = arith.mulf %max3A_95, %mul3A : vector<2048x32xf32>
    %reduce_sum3A = arith.constant dense<0.000000e+00> : vector<2048xf32>
    %reduce_sum3A_100 = vector.multi_reduction <add>, %mul3A_99, %reduce_sum3A [1] : vector<2048x32xf32> to vector<2048xf32>
    %get3A_101 = arith.constant 0 : index
    %get3A_102 = vector.load %arg11[%get3A_101] : memref<1xf32, #tpu.memory_space<vmem>>, vector<1xf32>
    %get3A_103 = vector.extract %get3A_102[0] : f32 from vector<1xf32>
    %add3A_104 = vector.broadcast %get3A_103 : f32 to vector<2048xf32>
    %add3A_105 = arith.addf %reduce_sum3A_100, %add3A_104 : vector<2048xf32>
    %swap3A = arith.constant 0 : index
    %swap3A_106 = vector.load %arg12[%swap3A] : memref<2048xf32, #tpu.memory_space<vmem>>, vector<2048xf32>
    tpu.vector_store %arg12[%swap3A], %add3A_105 {strides = array<i32>} : memref<2048xf32, #tpu.memory_space<vmem>>, vector<2048xf32>,
    return
  }
  func.func @transform_0(%arg0: i32) -> (i32, i32) {
    %c0_i32 = arith.constant 0 : i32
    %c0_i32_0 = arith.constant 0 : i32
    return %arg0, %c0_i32 : i32, i32
  }
  func.func @transform_1(%arg0: i32) -> (i32, i32) {
    %c0_i32 = arith.constant 0 : i32
    %c0_i32_0 = arith.constant 0 : i32
    return %arg0, %c0_i32 : i32, i32
  }
  func.func @transform_2(%arg0: i32) -> i32 {
    %c0_i32 = arith.constant 0 : i32
    return %arg0 : i32
  }
  func.func @transform_3(%arg0: i32) -> i32 {
    %c0_i32 = arith.constant 0 : i32
    return %arg0 : i32
  }
  func.func @transform_4(%arg0: i32) -> (i32, i32) {
    %c0_i32 = arith.constant 0 : i32
    %c0_i32_0 = arith.constant 0 : i32
    %c0_i32_1 = arith.constant 0 : i32
    return %c0_i32, %c0_i32_0 : i32, i32
  }
  func.func @transform_5(%arg0: i32) -> (i32, i32) {
    %c0_i32 = arith.constant 0 : i32
    %c0_i32_0 = arith.constant 0 : i32
    %c0_i32_1 = arith.constant 0 : i32
    return %c0_i32, %c0_i32_0 : i32, i32
  }
  func.func @transform_6(%arg0: i32) -> (i32, i32) {
    %c0_i32 = arith.constant 0 : i32
    %c0_i32_0 = arith.constant 0 : i32
    %c0_i32_1 = arith.constant 0 : i32
    return %c0_i32, %c0_i32_0 : i32, i32
  }
  func.func @transform_7(%arg0: i32) -> (i32, i32) {
    %c0_i32 = arith.constant 0 : i32
    %c0_i32_0 = arith.constant 0 : i32
    %c0_i32_1 = arith.constant 0 : i32
    return %c0_i32, %c0_i32_0 : i32, i32
  }
  func.func @transform_8(%arg0: i32) -> (i32, i32) {
    %c0_i32 = arith.constant 0 : i32
    %c0_i32_0 = arith.constant 0 : i32
    %c0_i32_1 = arith.constant 0 : i32
    return %c0_i32, %c0_i32_0 : i32, i32
  }
  func.func @transform_9(%arg0: i32) -> (i32, i32) {
    %c0_i32 = arith.constant 0 : i32
    %c0_i32_0 = arith.constant 0 : i32
    %c0_i32_1 = arith.constant 0 : i32
    return %c0_i32, %c0_i32_0 : i32, i32
  }
  func.func @transform_10(%arg0: i32) -> i32 {
    %c0_i32 = arith.constant 0 : i32
    %c0_i32_0 = arith.constant 0 : i32
    return %c0_i32 : i32
  }
  func.func @transform_11(%arg0: i32) -> i32 {
    %c0_i32 = arith.constant 0 : i32
    return %arg0 : i32
  }
}

</mosaic_0001>

<sc_bundles>
// kernel: _run.6.cloned.1.call-start
scs
__scs_entry_jumppad:
0x0: {  	(pc) =	sbr.rel $0x88, $3  }
0x1: {  	(tag) =	ssettag $0x0;
	lr =	simm.s32 $0x1  }
0x2: {  	[smem:$0x3F97] =	sst lr;
	_ =	strace $0xD0000000  }
0x3: {  	_ = 	snop  }
0x4: {  	_ = 	snop  }
0x5: {  	_ = 	snop  }
0x6: {  	_ = 	snop  }
0x7: {  	_ = 	snop  }
__scs_overlays_trampoline_lowered:
0x8: {  	[smem:$0x3FA6] =	sst s0  }
0x9: {  	[smem:$0x3FA7] =	sst s1  }
0xa: {  	[smem:$0x3FA8] =	sst s2  }
0xb: {  	[smem:$0x3FA9] =	sst s3  }
0xc: {  	[smem:$0x3FAA] =	sst s4  }
0xd: {  	[smem:$0x3FAB] =	sst s5  }
0xe: {  	[smem:$0x3FAC] =	sst s6  }
0xf: {  	[smem:$0x3FAD] =	sst s7  }
0x10: {  	[smem:$0x3FAE] =	sst s8  }
0x11: {  	[smem:$0x3FAF] =	sst s9;
	s0 =	simm.s32 @!p0 $0x0  }
0x12: {  	s1 =	sld [smem:$0x3F95];
	s0 =	simm.s32 @p0 $0x1  }
0x13: {  	[smem:$0x3FB0] =	sst s0;
	s0 =	simm.s32 @!p1 $0x0  }
0x14: {  	s2 =	sld [smem:$0x3F94];
	s0 =	simm.s32 @p1 $0x1  }
0x15: {  	[smem:$0x3FB1] =	sst s0;
	s0 =	simm.s32 @!p2 $0x0  }
0x16: {  	s3 =	sld [smem:$0x3FDB];
	s0 =	simm.s32 @p2 $0x1  }
0x17: {  	s4 =	simm.s32 $0x1BF5;
	[smem:$0x3FB3] =	sst s0  }
0x18: {  	s0 =	sld [smem:$0x3F96];
	_ =	swait.ge [sflag:s4], $0x0  }
0x19: {  	s7 =	sld [smem:$0x3F97]  }
0x1a: {  	s8 =	sadd.s32 $0xFFFFE003, lr  }
0x1b: {  	s9 =	sadd.s32 $0xFFFFFEF7, lr;
	s5 =	simm.s32 $0xFFFFFFFF;
	p2 =	slt.u32 s8, $0xFFFFF086  }
0x1c: {  	p1 =	slt.u32 s9, $0xF7A;
	s5 =	simm.s32 @!p2 $0x0  }
0x1d: {  	s5 =	simm.s32 @p1 $0x1;
	p0 =	seq.s32 s7, s2  }
0x1e: {  	s7 =	smul.u32 @!p0 $0xF7A, s2;
	p2 =	seq.s32 @!p0 s5, $0x0  }
0x1f: {  	s9 =	smul.u32 $0xF7A, s1;
	s8 =	simm.s32 @!p0 $0x1BF5;
	p2 =	por !p2, p0  }
0x20: {  	[sflag:s8] =	ssyncset.s32 @!p0 $0xFFFFF086;
	s6 =	sadd.s32 @!p0 s3, s7;
	s7 =	simm.s32 @!p0 $0x108  }
0x21: {  	s3 =	sadd.s32 s3, s9;
	s6 =	sadd.s32 @!p0 $0x88, s6;
	s7 =	simm.s32 @p2 $0x1082  }
0x22: {  	[simem:s7], [sflag:s8] =	dma.local @!p0 [hbm:s6], $0xF7A  }
0x23: {  	s9 =	sor.u32 $0xD0000000, s2;
	s6 =	simm.s32 $0x108;
	_ =	swait.ge @!p0 [sflag:s8], $0x0  }
0x24: {  	s3 =	sadd.s32 $0x88, s3;
	s6 =	simm.s32 @!p1 $0x1082;
	[sflag:s4] =	ssyncset.s32 $0xFFFFF086  }
0x25: {  	[simem:s6], [sflag:s4] =	dma.local [hbm:s3], $0xF7A  }
0x26: {  	[smem:$0x3F97] =	sst s1;
	(tag) =	ssettag s2;
	_ =	strace s9  }
0x27: {  	s1 =	sld [smem:$0x3FA7]  }
0x28: {  	s2 =	sld [smem:$0x3FA8]  }
0x29: {  	s4 =	sld [smem:$0x3FAA]  }
0x2a: {  	p0 =	seq.s32 s5, $0x0;
	s5 =	sld [smem:$0x3FAB]  }
0x2b: {  	s6 =	sld [smem:$0x3FAC]  }
0x2c: {  	s7 =	sld [smem:$0x3FAD]  }
0x2d: {  	s3 =	simm.s32 $0x108;
	s8 =	sld [smem:$0x3FAE]  }
0x2e: {  	s3 =	simm.s32 @!p0 $0x1082;
	s9 =	sld [smem:$0x3FAF]  }
0x2f: {  	lr =	sadd.s32 s0, s3;
	s0 =	sld [smem:$0x3FA6]  }
0x30: {  	s3 =	sld [smem:$0x3FA9]  }
0x31: {  	[smem:$0x3FB2] =	sst s10  }
0x32: {  	s10 =	sld [smem:$0x3FB0];
	_ =	sdelay $0x3  }
0x33: {  	p0 =	seq.s32 s10, $0x1;
	s10 =	sld [smem:$0x3FB2];
	_ =	sdelay $0x3  }
0x34: {  	[smem:$0x3FB2] =	sst s10  }
0x35: {  	s10 =	sld [smem:$0x3FB1];
	_ =	sdelay $0x3  }
0x36: {  	p1 =	seq.s32 s10, $0x1;
	s10 =	sld [smem:$0x3FB2];
	_ =	sdelay $0x3  }
0x37: {  	[smem:$0x3FB2] =	sst s10  }
0x38: {  	s10 =	sld [smem:$0x3FB3]  }
0x39: {  	_ = 	snop;
	(pc) =	sbr.ind lr, $3  }
0x3a: {  	_ = 	snop  }
0x3b: {  	_ = 	snop  }
0x3c: {  	p2 =	seq.s32 s10, $0x1;
	s10 =	sld [smem:$0x3FB2]  }
0x3d: {  	_ =	shalt  }
0x3e: {  	_ =	shalt  }
0x3f: {  	_ =	shalt  }
0x40: {  	_ =	shalt  }
0x41: {  	_ =	shalt  }
0x42: {  	_ =	shalt  }
0x43: {  	_ =	shalt  }
0x44: {  	_ =	shalt  }
0x45: {  	_ =	shalt  }
0x46: {  	_ =	shalt  }
0x47: {  	_ =	shalt  }
0x48: {  	_ =	shalt  }
0x49: {  	_ =	shalt  }
0x4a: {  	_ =	shalt  }
0x4b: {  	_ =	shalt  }
0x4c: {  	_ =	shalt  }
0x4d: {  	_ =	shalt  }
0x4e: {  	_ =	shalt  }
0x4f: {  	_ =	shalt  }
0x50: {  	_ =	shalt  }
0x51: {  	_ =	shalt  }
0x52: {  	_ =	shalt  }
0x53: {  	_ =	shalt  }
0x54: {  	_ =	shalt  }
0x55: {  	_ =	shalt  }
0x56: {  	_ =	shalt  }
0x57: {  	_ =	shalt  }
0x58: {  	_ =	shalt  }
0x59: {  	_ =	shalt  }
0x5a: {  	_ =	shalt  }
0x5b: {  	_ =	shalt  }
0x5c: {  	_ =	shalt  }
0x5d: {  	_ =	shalt  }
0x5e: {  	_ =	shalt  }
0x5f: {  	_ =	shalt  }
0x60: {  	_ =	shalt  }
0x61: {  	_ =	shalt  }
0x62: {  	_ =	shalt  }
0x63: {  	_ =	shalt  }
0x64: {  	_ =	shalt  }
0x65: {  	_ =	shalt  }
0x66: {  	_ =	shalt  }
0x67: {  	_ =	shalt  }
0x68: {  	_ =	shalt  }
0x69: {  	_ =	shalt  }
0x6a: {  	_ =	shalt  }
0x6b: {  	_ =	shalt  }
0x6c: {  	_ =	shalt  }
0x6d: {  	_ =	shalt  }
0x6e: {  	_ =	shalt  }
0x6f: {  	_ =	shalt  }
0x70: {  	_ =	shalt  }
0x71: {  	_ =	shalt  }
0x72: {  	_ =	shalt  }
0x73: {  	_ =	shalt  }
0x74: {  	_ =	shalt  }
0x75: {  	_ =	shalt  }
0x76: {  	_ =	shalt  }
0x77: {  	_ =	shalt  }
0x78: {  	_ =	shalt  }
0x79: {  	_ =	shalt  }
0x7a: {  	_ =	shalt  }
0x7b: {  	_ =	shalt  }
0x7c: {  	_ =	shalt  }
0x7d: {  	_ =	shalt  }
0x7e: {  	_ =	shalt  }
0x7f: {  	_ =	shalt  }
0x80: {  	_ =	shalt  }
0x81: {  	_ =	shalt  }
0x82: {  	_ =	shalt  }
0x83: {  	_ =	shalt  }
0x84: {  	_ =	shalt  }
0x85: {  	_ =	shalt  }
0x86: {  	_ =	shalt  }
0x87: {  	_ =	shalt  }
.Lfunc_end0:
.L_simem_size_0:
called_computation_lowered:
.L_overlay_start_0:
0x88: {  	s2 =	sld [smem:$0x3FD9]  }
0x89: {  	s3 =	sld [smem:$0x3FFE];
	_ =	sdelay $0x1  }
0x8a: {  	s1 =	srdreg.scid  }
0x8b: {  	s0 =	sand.u32 $0x1, s1  }
0x8c: {  	s17 =	sshll.u32 s0, $0xA;
	s2 =	sadd.s32 s3, s2  }
0x8d: {  	s2 =	sadd.s32 s2, s17  }
0x8e: {  	[smem:$0x3FBE] =	sst s2  }
0x8f: {  	_ = 	snop  }
0x90: {  	s2 =	sld [smem:$0x3FD0];
	(tm) =	ssettm $0x1  }
0x91: {  	s18 =	sld [smem:$0x3FFB];
	_ =	sdelay $0x3  }
0x92: {  	_ =	strace s18  }
0x93: {  	s3 =	sld [smem:$0x3FFC];
	_ =	sdelay $0x3  }
0x94: {  	_ =	strace s3  }
0x95: {  	s3 =	sld [smem:$0x3FFD];
	_ =	sdelay $0x3  }
0x96: {  	_ =	strace s3  }
0x97: {  	_ =	strace $0x8FFFFFFF  }
0x98: {  	s19 =	sld [smem:$0x3FDB];
	_ =	sdelay $0x1  }
0x99: {  	s4 =	simm.s32 $_scs_section_size  }
0x9a: {  	s5 =	simm.s32 $_size__tile_overlayer_lowered;
	s6 =	simm.s32 $_tile_overlayer_lowered  }
0x9b: {  	s22 =	simm.s32 $0x1BFF;
	s21 =	sshll.u32 s6, $0x1;
	s3 =	sadd.s32 s4, s19  }
0x9c: {  	s7 =	simm.s32 $0x0;
	s20 =	sshll.u32 s5, $0x1;
	s5 =	sadd.s32 s21, s3  }
0x9d: {  	[timem:s7], [sflag:s22] =	dma.local [hbm:s5], s20  }
0x9e: {  	_ =	swait.ge [sflag:s22], s20  }
0x9f: {  	s4 =	ssub.s32 $0x0, s20;
	[sflag:s22] =	ssyncset.done $0x0  }
0xa0: {  	[sflag:s22] =	ssyncadd.s32 s4;
	_ =	sdelay $0x1  }
0xa1: {  	s23 =	simm.s32 $0x1B8B  }
0xa2: {  	_ =	swait.ge [sflag:s23], $0x1  }
0xa3: {  	[sflag:s23] =	ssyncset.done $0x0  }
0xa4: {  	s25 =	simm.s32 $0x1B8E;
	s24 =	sld [smem:$0x3FFE];
	[sflag:s23] =	ssyncadd.s32 $0xFFFFFFFF  }
0xa5: {  	s26 =	simm.s32 $execute0_lowered;
	[smem:$0x3FD2] =	sst s25  }
0xa6: {  	s5 =	sshll.u32 s26, $0x1;
	_ =	strace $0x80000046;
	[dreg:$0x1] =	wrdreg $0xFFFFFFFF  }
0xa7: {  	s28 =	simm.s32 $_size_execute0_lowered;
	s3 =	sadd.s32 s3, s5;
	[dreg:$0x0] =	wrdreg $0x0  }
0xa8: {  	s5 =	sshll.u32 s28, $0x1;
	[dreg:$0x2] =	wrdreg s3  }
0xa9: {  	[dreg:$0x3] =	wrdreg s5  }
0xaa: {  	[dreg:$0x4] =	wrdreg $0xC0  }
0xab: {  	_ =	task [dreg:s7], $0x5FFFF  }
0xac: {  	[dreg:$0x1] =	wrdreg $0xFFFFFFFF  }
0xad: {  	[dreg:$0x0] =	wrdreg $0x60  }
0xae: {  	[dreg:$0x2] =	wrdreg s24  }
0xaf: {  	[dreg:$0x3] =	wrdreg s2  }
0xb0: {  	[dreg:$0x4] =	wrdreg $0x9  }
0xb1: {  	_ =	task.clear_ibuf [dreg:s7], $0x5FFFF;
	_ =	strace $0x90000046  }
0xb2: {  	s29 =	simm.s32 $0x9;
	_ =	strace $0x80000048  }
0xb3: {  	_ =	swait.ge [sflag:s29], $0x1  }
0xb4: {  	[sflag:s29] =	ssyncadd.s32 $0xFFFFFFFF  }
0xb5: {  	_ =	strace $0x90000048  }
0xb6: {  	_ =	sfence  }
0xb7: {  	s30 =	sld [smem:$0x0];
	_ =	sdelay $0x2  }
0xb8: {  	s31 =	sshll.u32 s1, $0xD;
	s1 =	sshrl.u32 s1, $0x2  }
0xb9: {  	s3 =	sand.u32 $0x4000, s31;
	s1 =	sadd.s32 s1, s30  }
0xba: {  	s0 =	sor.u32 s3, s0;
	s1 =	sshll.u32 s1, $0x11  }
0xbb: {  	s0 =	sor.u32 s1, s0  }
0xbc: {  	s0 =	sadd.s32 $0x8F2B, s0  }
0xbd: {  	[sflag:s0] =	ssyncadd.remote.s32 $0x1  }
0xbe: {  	_ =	sfence.sel $0xFFFF  }
0xbf: {  	[dreg:$0x0] =	wrdreg $0xFFFFFFFF;
	(pc) =	sbr.abs _section_cstart, $3  }
0xc0: {  	[dreg:$0x1] =	wrdreg $0xFFFFFFFF  }
0xc1: {  	_ =	task.clear_ibuf [dreg:s7], $0x2FFFF;
	_ =	strace $0x9FFFFFFF  }
0xc2: {  	(tm) =	ssettm $0x7FFFFFFF  }
0xc3: {  	_ =	shalt  }
tec
execute0_lowered:
.L_overlay_start_1:
0x0: {  	(tag) =	ssettag $0x1  }
0x1: {  	s1 =	srdreg.scid  }
0x2: {  	s0 =	stileid.u32;
	s21 =	sand.u32 $0x1, s1  }
0x3: {  	s17 =	rddreg [dreg:$0x0];
	s30 =	sshll.u32 s0, $0xA;
	s2 =	sshll.u32 s21, $0x9  }
0x4: {  	s5 =	rddreg [dreg:$0x1];
	s16 =	sor.u32 s2, s30  }
0x5: {  	s1 =	rddreg [dreg:$0x2];
	s2 =	simm.s32 $0x0;
	s6 =	sshrl.u32 s16, $0x3  }
0x6: {  	[smem:$0x7FF] =	sst s2;
	s3 =	sadd.s32 s6, s17  }
0x7: {  	_ =	strace $0x80000047;
	s4 =	sadd.s32 $0x444000, s3;
	s3 =	simm.s32 $0x2  }
0x8: {  	[tilespmem:s2], [sflag:$0x2] =	stream.linear.gather [hbm4b:s4+s2], $0x200, $0x38;
	[tilespmem:$0x10400] =	vst v63  }
0x9: {  	_ =	swait.ge [sflag:s3], $0x200  }
0xa: {  	[sflag:s3] =	ssyncset.done $0x0  }
0xb: {  	s5 =	sadd.s32 s5, s6;
	s6 =	simm.s32 $0x200;
	[sflag:s3] =	ssyncadd.s32 $0xFFFFFE00  }
0xc: {  	[tilespmem:s6], [sflag:$0x2] =	stream.linear.gather [hbm4b:s5+s2], $0x200, $0x38;
	[tilespmem:$0x10400] =	vst v63  }
0xd: {  	_ =	swait.ge [sflag:s3], $0x200  }
0xe: {  	s8 =	simm.s32 $0x80;
	[sflag:s3] =	ssyncset.done $0x0  }
0xf: {  	s9 =	simm.s32 $0x400;
	s7 =	sadd.s32 $0x2000, s17;
	[sflag:s3] =	ssyncadd.s32 $0xFFFFFE00  }
0x10: {  	[tilespmem:s9], [sflag:$0x1] =	stream.indirect.gather [hbm4b:s7+s8], $0x80, s2, s8, $0xb8;
	[tilespmem:$0x10400] =	vst v63  }
0x11: {  	s10 =	simm.s32 $0x4400  }
0x12: {  	[tilespmem:s10], [sflag:$0x1] =	stream.indirect.gather [hbm4b:s7+s8], $0x80, s8, s8, $0xb8;
	[tilespmem:$0x10400] =	vst v63  }
0x13: {  	s11 =	simm.s32 $0x100;
	s12 =	simm.s32 $0x8400  }
0x14: {  	[tilespmem:s12], [sflag:$0x1] =	stream.indirect.gather [hbm4b:s7+s8], $0x80, s11, s8, $0xb8;
	[tilespmem:$0x10400] =	vst v63  }
0x15: {  	s13 =	simm.s32 $0x180;
	s14 =	simm.s32 $0xC400;
	s15 =	simm.s32 $0x1  }
0x16: {  	[tilespmem:s14], [sflag:$0x1] =	stream.indirect.gather [hbm4b:s7+s8], $0x80, s13, s8, $0xb8;
	[tilespmem:$0x10400] =	vst v63  }
0x17: {  	_ =	swait.ge [sflag:s15], $0x4000  }
0x18: {  	[sflag:s15] =	ssyncset.done $0x0  }
0x19: {  	[sflag:s15] =	ssyncadd.s32 $0xFFFFC000  }
0x1a: {  	_ =	swait.ge [sflag:s15], $0x4000  }
0x1b: {  	[sflag:s15] =	ssyncset.done $0x0  }
0x1c: {  	[sflag:s15] =	ssyncadd.s32 $0xFFFFC000  }
0x1d: {  	_ =	swait.ge [sflag:s15], $0x4000  }
0x1e: {  	[sflag:s15] =	ssyncset.done $0x0  }
0x1f: {  	[sflag:s15] =	ssyncadd.s32 $0xFFFFC000  }
0x20: {  	s16 =	sshll.u32 s16, $0x4;
	_ =	swait.ge [sflag:s15], $0x4000  }
0x21: {  	s22 =	sadd.s32 s16, s17;
	[sflag:s15] =	ssyncset.done $0x0  }
0x22: {  	s16 =	sadd.s32 $0x444800, s22;
	[sflag:s15] =	ssyncadd.s32 $0xFFFFC000  }
0x23: {  	[hbm4b:s16+s2] =	stream.linear.scatter [tilespmem:s9], [sflag:$0x2], $0x10000, $0x38;
	[tilespmem:$0x10400] =	vst v63  }
0x24: {  	_ =	swait.ge [sflag:s3], $0x10000  }
0x25: {  	[sflag:s3] =	ssyncset.done $0x0  }
0x26: {  	s17 =	sadd.s32 $0x3E2000, s17;
	[sflag:s3] =	ssyncadd.s32 $0xFFFF0000  }
0x27: {  	[tilespmem:s9], [sflag:$0x1] =	stream.indirect.gather [hbm4b:s17+s8], $0x80, s6, s8, $0xb8;
	[tilespmem:$0x10400] =	vst v63  }
0x28: {  	s18 =	simm.s32 $0x280  }
0x29: {  	[tilespmem:s10], [sflag:$0x1] =	stream.indirect.gather [hbm4b:s17+s8], $0x80, s18, s8, $0xb8;
	[tilespmem:$0x10400] =	vst v63  }
0x2a: {  	s19 =	simm.s32 $0x300  }
0x2b: {  	[tilespmem:s12], [sflag:$0x1] =	stream.indirect.gather [hbm4b:s17+s8], $0x80, s19, s8, $0xb8;
	[tilespmem:$0x10400] =	vst v63  }
0x2c: {  	s20 =	simm.s32 $0x380  }
0x2d: {  	[tilespmem:s14], [sflag:$0x1] =	stream.indirect.gather [hbm4b:s17+s8], $0x80, s20, s8, $0xb8;
	[tilespmem:$0x10400] =	vst v63  }
0x2e: {  	_ =	swait.ge [sflag:s15], $0x4000  }
0x2f: {  	[sflag:s15] =	ssyncset.done $0x0  }
0x30: {  	[sflag:s15] =	ssyncadd.s32 $0xFFFFC000  }
0x31: {  	_ =	swait.ge [sflag:s15], $0x4000  }
0x32: {  	[sflag:s15] =	ssyncset.done $0x0  }
0x33: {  	s21 =	ssub.s32 $0x2, s21;
	[sflag:s15] =	ssyncadd.s32 $0xFFFFC000  }
0x34: {  	s23 =	sshrl.u32 s21, $0x1;
	_ =	swait.ge [sflag:s15], $0x4000  }
0x35: {  	s23 =	ssub.s32 s21, s23;
	[sflag:s15] =	ssyncset.done $0x0  }
0x36: {  	s31 =	smax.u32 s23, $0x1;
	[sflag:s15] =	ssyncadd.s32 $0xFFFFC000  }
0x37: {  	p0 =	sne.s32 s31, $0x1;
	_ =	swait.ge [sflag:s15], $0x4000  }
.Ltmp0:
0x38: {  	[sflag:s15] =	ssyncset.done $0x0;
	(pc) =	sbr.rel @!p0 .LBB2_2-.Ltmp0, $4  }
0x39: {  	s21 =	sadd.s32 $0x484800, s22;
	[sflag:s15] =	ssyncadd.s32 $0xFFFFC000  }
0x3a: {  	[hbm4b:s21+s2] =	stream.linear.scatter [tilespmem:s9], [sflag:$0x2], $0x10000, $0x38;
	[tilespmem:$0x10400] =	vst v63  }
0x3b: {  	_ =	swait.ge [sflag:s3], $0x10000  }
0x3c: {  	s22 =	sadd.s32 $0xFFFFFFFF, s31;
	[sflag:s3] =	ssyncset.done $0x0  }
.LBB2_1:
0x3d: {  	p0 =	sne.s32 s22, $0x1;
	s22 =	sadd.s32 $0xFFFFFFFF, s22;
	[sflag:s3] =	ssyncadd.s32 $0xFFFF0000  }
0x3e: {  	[tilespmem:s2], [sflag:$0x2] =	stream.linear.gather [hbm4b:s4+s2], $0x200, $0x38;
	[tilespmem:$0x10400] =	vst v63  }
0x3f: {  	_ =	swait.ge [sflag:s3], $0x200  }
0x40: {  	[sflag:s3] =	ssyncset.done $0x0  }
0x41: {  	[sflag:s3] =	ssyncadd.s32 $0xFFFFFE00  }
0x42: {  	[tilespmem:s6], [sflag:$0x2] =	stream.linear.gather [hbm4b:s5+s2], $0x200, $0x38;
	[tilespmem:$0x10400] =	vst v63  }
0x43: {  	_ =	swait.ge [sflag:s3], $0x200  }
0x44: {  	[sflag:s3] =	ssyncset.done $0x0  }
0x45: {  	[sflag:s3] =	ssyncadd.s32 $0xFFFFFE00  }
0x46: {  	[tilespmem:s9], [sflag:$0x1] =	stream.indirect.gather [hbm4b:s7+s8], $0x80, s2, s8, $0xb8;
	[tilespmem:$0x10400] =	vst v63  }
0x47: {  	_ = 	snop  }
0x48: {  	[tilespmem:s10], [sflag:$0x1] =	stream.indirect.gather [hbm4b:s7+s8], $0x80, s8, s8, $0xb8;
	[tilespmem:$0x10400] =	vst v63  }
0x49: {  	_ = 	snop  }
0x4a: {  	[tilespmem:s12], [sflag:$0x1] =	stream.indirect.gather [hbm4b:s7+s8], $0x80, s11, s8, $0xb8;
	[tilespmem:$0x10400] =	vst v63  }
0x4b: {  	_ = 	snop  }
0x4c: {  	[tilespmem:s14], [sflag:$0x1] =	stream.indirect.gather [hbm4b:s7+s8], $0x80, s13, s8, $0xb8;
	[tilespmem:$0x10400] =	vst v63  }
0x4d: {  	_ =	swait.ge [sflag:s15], $0x4000  }
0x4e: {  	[sflag:s15] =	ssyncset.done $0x0  }
0x4f: {  	[sflag:s15] =	ssyncadd.s32 $0xFFFFC000  }
0x50: {  	_ =	swait.ge [sflag:s15], $0x4000  }
0x51: {  	[sflag:s15] =	ssyncset.done $0x0  }
0x52: {  	[sflag:s15] =	ssyncadd.s32 $0xFFFFC000  }
0x53: {  	_ =	swait.ge [sflag:s15], $0x4000  }
0x54: {  	[sflag:s15] =	ssyncset.done $0x0  }
0x55: {  	[sflag:s15] =	ssyncadd.s32 $0xFFFFC000  }
0x56: {  	_ =	swait.ge [sflag:s15], $0x4000  }
0x57: {  	[sflag:s15] =	ssyncset.done $0x0  }
0x58: {  	[sflag:s15] =	ssyncadd.s32 $0xFFFFC000  }
0x59: {  	[hbm4b:s16+s2] =	stream.linear.scatter [tilespmem:s9], [sflag:$0x2], $0x10000, $0x38;
	[tilespmem:$0x10400] =	vst v63  }
0x5a: {  	_ =	swait.ge [sflag:s3], $0x10000  }
0x5b: {  	[sflag:s3] =	ssyncset.done $0x0  }
0x5c: {  	[sflag:s3] =	ssyncadd.s32 $0xFFFF0000  }
0x5d: {  	[tilespmem:s9], [sflag:$0x1] =	stream.indirect.gather [hbm4b:s17+s8], $0x80, s6, s8, $0xb8;
	[tilespmem:$0x10400] =	vst v63  }
0x5e: {  	_ = 	snop  }
0x5f: {  	[tilespmem:s10], [sflag:$0x1] =	stream.indirect.gather [hbm4b:s17+s8], $0x80, s18, s8, $0xb8;
	[tilespmem:$0x10400] =	vst v63  }
0x60: {  	_ = 	snop  }
0x61: {  	[tilespmem:s12], [sflag:$0x1] =	stream.indirect.gather [hbm4b:s17+s8], $0x80, s19, s8, $0xb8;
	[tilespmem:$0x10400] =	vst v63  }
0x62: {  	_ = 	snop  }
0x63: {  	[tilespmem:s14], [sflag:$0x1] =	stream.indirect.gather [hbm4b:s17+s8], $0x80, s20, s8, $0xb8;
	[tilespmem:$0x10400] =	vst v63  }
0x64: {  	_ =	swait.ge [sflag:s15], $0x4000  }
0x65: {  	[sflag:s15] =	ssyncset.done $0x0  }
0x66: {  	[sflag:s15] =	ssyncadd.s32 $0xFFFFC000  }
0x67: {  	_ =	swait.ge [sflag:s15], $0x4000  }
0x68: {  	[sflag:s15] =	ssyncset.done $0x0  }
0x69: {  	[sflag:s15] =	ssyncadd.s32 $0xFFFFC000  }
0x6a: {  	_ =	swait.ge [sflag:s15], $0x4000  }
0x6b: {  	[sflag:s15] =	ssyncset.done $0x0  }
0x6c: {  	[sflag:s15] =	ssyncadd.s32 $0xFFFFC000  }
0x6d: {  	_ =	swait.ge [sflag:s15], $0x4000  }
.Ltmp1:
0x6e: {  	[sflag:s15] =	ssyncset.done $0x0;
	(pc) =	sbr.rel @p0 .LBB2_1-.Ltmp1, $4  }
0x6f: {  	[sflag:s15] =	ssyncadd.s32 $0xFFFFC000  }
0x70: {  	[hbm4b:s21+s2] =	stream.linear.scatter [tilespmem:s9], [sflag:$0x2], $0x10000, $0x38;
	[tilespmem:$0x10400] =	vst v63  }
0x71: {  	_ =	swait.ge [sflag:s3], $0x10000  }
0x72: {  	[sflag:s3] =	ssyncset.done $0x0  }
.LBB2_2:
0x73: {  	[sflag:s3] =	ssyncadd.s32 $0xFFFF0000  }
0x74: {  	_ =	sfence.sel $0x180000  }
0x75: {  	[bflag:$0x0] =	sbarrier.arrive $0xFFFF  }
0x76: {  	p0 =	sne.s32 s0, $0x0;
	_ =	strace $0x90000047  }
0x77: {  	s0 =	sadd.s32 @!p0 $0x100000, s1;
	[bflag:$0x2] =	sbarrier.arrive $0xFFFF  }
0x78: {  	[sflag:s0] =	ssyncadd.tile.s32 @!p0 $0x1;
	_ =	shalt  }
.Lfunc_end2:
_tile_overlayer_lowered:
.L_overlay_start_2:
0x79: {  	(tag) =	ssettag $0x2  }
0x7a: {  	s0 =	rddreg [dreg:$0x0];
	s2 =	stileid.u32  }
0x7b: {  	s1 =	rddreg [dreg:$0x1];
	p0 =	sne.s32 s2, $0x0  }
0x7c: {  	s3 =	rddreg [dreg:$0x2];
	[bflag:$0x3] =	sbarrier.arrive $0xFFFF;
	s2 =	simm.s32 @!p0 $0x1C02  }
0x7d: {  	[timem:s3], [sflag:s2] =	dma.local @!p0 [hbm:s0], s1  }
0x7e: {  	s0 =	simm.s32 @!p0 $0x2  }
0x7f: {  	_ =	swait.ge @!p0 [sflag:s0], s1  }
0x80: {  	s1 =	ssub.s32 @!p0 $0x0, s1;
	[sflag:s0] =	ssyncset.done @!p0 $0x0  }
0x81: {  	[sflag:s0] =	ssyncadd.s32 @!p0 s1  }
0x82: {  	[bflag:$0x3] =	sbarrier.arrive $0xFFFF  }
0x83: {  	_ =	shalt  }

</sc_bundles>
